<compile_context>
chip_gen: v7x
topology: tpu7x:2x2x1
jax: 0.10.2.dev20260603
libtpu: 0.0.44.dev20260713+nightly
codegen_flags: <defaults>
</compile_context>

<pallas_src>
import dataclasses
import functools

import jax
import jax.numpy as jnp
from jax import lax
from jax.experimental import pallas as pl
from jax.experimental.pallas import tpu as pltpu
from jax.experimental.pallas import tpu_sc as plsc

_BATCH = 4
_SEQ = 4096
_D = 2048
_E = 16
_M = _BATCH * _SEQ
_BLK = 1024

_NCORES = 2
_NSUB = 16
_NW = _NCORES * _NSUB
_CHUNK = _M // _NW
_LANES = 16
_NGRP = _CHUNK // _LANES

_NEG_BIG = -3.0e38

_SC_PARAMS = pltpu.CompilerParams()
if "needs_layout_passes" in pltpu.CompilerParams.__dataclass_fields__:
    _SC_PARAMS = dataclasses.replace(_SC_PARAMS, needs_layout_passes=False)


def _tc_body(x_ref, w_ref, logits_ref, accout_ref, loss_ref, acc_ref):
    i = pl.program_id(0)
    nsteps = pl.num_programs(0)
    lt = lax.dot_general(
        w_ref[...], x_ref[...], (((1,), (1,)), ((), ())),
        preferred_element_type=jnp.float32)
    logits_ref[...] = lt

    m = jnp.max(lt, axis=0, keepdims=True)
    p = jnp.exp(lt - m)
    p = p / jnp.sum(p, axis=0, keepdims=True)
    part = jnp.sum(p, axis=1, keepdims=True)

    @pl.when(i == 0)
    def _():
        acc_ref[...] = jnp.zeros_like(acc_ref)

    acc_ref[:, :1] += part

    @pl.when(i == nsteps - 1)
    def _():
        accout_ref[...] = acc_ref[...]
        avg = acc_ref[:, :1] / _M
        mean = jnp.sum(avg, axis=0, keepdims=True) / _E
        var = jnp.sum((avg - mean) ** 2, axis=0, keepdims=True) / (_E - 1)
        loss_ref[...] = var / (mean + 1e-6) ** 2


def _tc_logits(xr, w):
    return pl.pallas_call(
        _tc_body,
        grid=(_M // _BLK,),
        in_specs=[
            pl.BlockSpec((_BLK, _D), lambda i: (i, 0)),
            pl.BlockSpec((_E, _D), lambda i: (0, 0)),
        ],
        out_specs=[
            pl.BlockSpec((_E, _BLK), lambda i: (0, i)),
            pl.BlockSpec((_E, 128), lambda i: (0, 0)),
            pl.BlockSpec((1, 1), lambda i: (0, 0)),
        ],
        out_shape=[
            jax.ShapeDtypeStruct((_E, _M), jnp.float32),
            jax.ShapeDtypeStruct((_E, 128), jnp.float32),
            jax.ShapeDtypeStruct((1, 1), jnp.float32),
        ],
        scratch_shapes=[pltpu.VMEM((_E, 128), jnp.float32)],
    )(xr, w)


def _sc_top2(logits_t):
    mesh = plsc.VectorSubcoreMesh(core_axis_name="c", subcore_axis_name="s")

    @functools.partial(
        pl.kernel,
        out_type=[
            jax.ShapeDtypeStruct((2, _M), jnp.int32),
            jax.ShapeDtypeStruct((2, _M), jnp.float32),
        ],
        mesh=mesh,
        compiler_params=_SC_PARAMS,
        scratch_types=[
            pltpu.VMEM((_E, _CHUNK), jnp.float32),
            pltpu.VMEM((2, _CHUNK), jnp.int32),
            pltpu.VMEM((2, _CHUNK), jnp.float32),
            pltpu.SemaphoreType.DMA,
        ],
    )
    def sc_body(lg_hbm, idx_hbm, gat_hbm, lg_v, idx_v, gat_v, sem):
        wid = lax.axis_index("s") * _NCORES + lax.axis_index("c")
        base = wid * _CHUNK
        pltpu.async_copy(lg_hbm.at[:, pl.ds(base, _CHUNK)], lg_v, sem).wait()

        @plsc.parallel_loop(0, _NGRP, unroll=2)
        def _(j):
            off = j * _LANES
            sl = pl.ds(off, _LANES)
            m1 = lg_v[0, sl]
            i1 = jnp.zeros((_LANES,), jnp.int32)
            m2 = jnp.full((_LANES,), _NEG_BIG, jnp.float32)
            i2 = jnp.zeros((_LANES,), jnp.int32)
            for e in range(1, _E):
                v = lg_v[e, sl]
                ev = jnp.full((_LANES,), e, jnp.int32)
                gt1 = v > m1
                gt2 = v > m2
                m2 = jnp.where(gt1, m1, jnp.where(gt2, v, m2))
                i2 = jnp.where(gt1, i1, jnp.where(gt2, ev, i2))
                m1 = jnp.where(gt1, v, m1)
                i1 = jnp.where(gt1, ev, i1)
            d = jnp.exp(m2 - m1)
            s = 1.0 / (1.0 + d)
            idx_v[0, sl] = i1
            idx_v[1, sl] = i2
            gat_v[0, sl] = s
            gat_v[1, sl] = d * s

        pltpu.async_copy(idx_v, idx_hbm.at[:, pl.ds(base, _CHUNK)],
                         sem).wait()
        pltpu.async_copy(gat_v, gat_hbm.at[:, pl.ds(base, _CHUNK)],
                         sem).wait()

    return sc_body(logits_t)


def kernel(x, gate_weight):
    xr = x.reshape(_M, _D)
    logits_t, _acc, loss = _tc_logits(xr, gate_weight)
    idx_t, gat_t = _sc_top2(logits_t)
    top_idx = idx_t.T.reshape(_BATCH, _SEQ, 2)
    top_gat = gat_t.T.reshape(_BATCH, _SEQ, 2)
    return top_idx, top_gat, loss.reshape(())

# --- scband reference (transcript-rebuilt; emitter-appended) ---
"""Pipeline reference for scband-router-24240795419343 (READ-ONLY COPY).

The authoritative reference and input builder live on the scoring server;
editing this copy changes nothing except your own understanding.
"""

import jax, jax.numpy as jnp
import numpy as np

BATCH = 4
SEQ_LEN = 4096
D_MODEL = 2048
NUM_EXPERTS = 16
TOP_K = 2


def setup_inputs(seed: int = 0) -> dict:
    key = jax.random.key(seed)
    k1, k2 = jax.random.split(key)
    x = jax.random.normal(k1, (BATCH, SEQ_LEN, D_MODEL), dtype=jnp.float32)
    # nn.Linear(d_model, num_experts, bias=False) weight: (num_experts, d_model)
    bound = 1.0 / np.sqrt(D_MODEL)
    gate_weight = jax.random.uniform(k2, (NUM_EXPERTS, D_MODEL), dtype=jnp.float32, minval=-bound, maxval=bound)
    return {"x": x, "gate_weight": gate_weight}


def reference(x, gate_weight):
    # router_logits = self.gate(x)
    router_logits = jnp.einsum('bsd,ed->bse', x, gate_weight)
    # top_k over experts (last dim), largest first -- matches torch.topk
    top_k_gates, top_k_indices = jax.lax.top_k(router_logits, TOP_K)
    top_k_gates = jax.nn.softmax(top_k_gates, axis=-1)
    # load balance loss
    routing_probs = jax.nn.softmax(router_logits, axis=-1)
    avg_probs = routing_probs.mean(axis=(0, 1))
    # torch.std is unbiased (ddof=1) by default
    loss = (jnp.std(avg_probs, ddof=1) / (avg_probs.mean() + 1e-06)) ** 2
    return (top_k_indices, top_k_gates, loss)

if __name__ == "__main__":
    import jax
    _d = setup_inputs()
    print(jax.jit(kernel)(*tuple(_d.values())))

</pallas_src>

<mosaic_0001>
#map = affine_map<(d0, d1) -> (0, 0)>
module attributes {stable_mosaic.version = 14 : i64} {
  func.func @sc_body(%arg0: i32, %arg1: i32, %arg2: memref<16x16384xf32, #tpu.memory_space<hbm>>, %arg3: memref<2x16384xi32, #tpu.memory_space<hbm>>, %arg4: memref<2x16384xf32, #tpu.memory_space<hbm>>, %arg5: memref<16x512xf32, #tpu.memory_space<vmem>>, %arg6: memref<2x512xi32, #tpu.memory_space<vmem>>, %arg7: memref<2x512xf32, #tpu.memory_space<vmem>>, %arg8: memref<!tpu.dma_semaphore, #tpu.memory_space<semaphore_mem>>) attributes {dimension_semantics = [#tpu.dimension_semantics<core_parallel>, #tpu.dimension_semantics<subcore_parallel>], iteration_bounds = array<i64: 2, 16>, scalar_prefetch = 0 : i64, scratch_operands = 4 : i64, tpu.core_type = #tpu.core_type<sc_vector_subcore>, window_params = [{transform_indices = #map}, {transform_indices = #map}, {transform_indices = #map}]} {
    %mul3A = arith.constant 2 : i32
    %mul3A_0 = arith.muli %arg1, %mul3A : i32
    %add3A = arith.addi %mul3A_0, %arg0 : i32
    %mul3A_1 = arith.constant 512 : i32
    %mul3A_2 = arith.muli %add3A, %mul3A_1 : i32
    %dma_start3A = arith.constant 0 : i32
    %dma_start3A_3 = tpu.memref_slice %arg2[%dma_start3A, %mul3A_2] : memref<16x16384xf32, #tpu.memory_space<hbm>> -> memref<16x512xf32, #tpu.memory_space<hbm>>
    %dma_start3A_4 = arith.constant 0 : i32
    %dma_start3A_5 = tpu.memref_slice %arg2[%dma_start3A_4, %mul3A_2] : memref<16x16384xf32, #tpu.memory_space<hbm>> -> memref<16x512xf32, #tpu.memory_space<hbm>>
    tpu.enqueue_dma source(%dma_start3A_5 : memref<16x512xf32, #tpu.memory_space<hbm>>) target(%arg5 : memref<16x512xf32, #tpu.memory_space<vmem>>) target_semaphore(%arg8 : memref<!tpu.dma_semaphore, #tpu.memory_space<semaphore_mem>>)
    %dma_wait3A = arith.constant 0 : i32
    %dma_wait3A_6 = tpu.memref_slice %arg2[%dma_wait3A, %mul3A_2] : memref<16x16384xf32, #tpu.memory_space<hbm>> -> memref<16x512xf32, #tpu.memory_space<hbm>>
    %dma_wait3A_7 = arith.constant 0 : i32
    %dma_wait3A_8 = tpu.memref_slice %arg2[%dma_wait3A_7, %mul3A_2] : memref<16x16384xf32, #tpu.memory_space<hbm>> -> memref<16x512xf32, #tpu.memory_space<hbm>>
    tpu.wait_dma2 semaphore(%arg8 : memref<!tpu.dma_semaphore, #tpu.memory_space<semaphore_mem>>) src(%dma_wait3A_8 : memref<16x512xf32, #tpu.memory_space<hbm>>) dst(%arg5 : memref<16x512xf32, #tpu.memory_space<vmem>>)
    %parallel_loop3A = arith.constant 0 : i32
    %parallel_loop3A_9 = arith.constant 32 : i32
    %parallel_loop3A_10 = arith.constant 1 : i32
    scf.for %parallel_loop3A_27 = %parallel_loop3A to %parallel_loop3A_9 step %parallel_loop3A_10  : i32 {
      %parallel_loop3A_28 = arith.constant 16 : i32
      %parallel_loop3A_29 = arith.muli %parallel_loop3A_27, %parallel_loop3A_28 : i32
      %parallel_loop3A_30 = arith.constant 0 : i32
      %parallel_loop3A_31 = arith.index_cast %parallel_loop3A_30 : i32 to index
      %parallel_loop3A_32 = arith.index_cast %parallel_loop3A_29 : i32 to index
      %parallel_loop3A_33 = tpu.vector_load %arg5[%parallel_loop3A_31, %parallel_loop3A_32] {strides = array<i32>} : memref<16x512xf32, #tpu.memory_space<vmem>>, vector<16xf32>,
      %parallel_loop3A_34 = arith.constant 0 : i32
      %parallel_loop3A_35 = vector.broadcast %parallel_loop3A_34 : i32 to vector<16xi32>
      %parallel_loop3A_36 = arith.constant -3.000000e+38 : f32
      %parallel_loop3A_37 = vector.broadcast %parallel_loop3A_36 : f32 to vector<16xf32>
      %parallel_loop3A_38 = arith.constant 0 : i32
      %parallel_loop3A_39 = vector.broadcast %parallel_loop3A_38 : i32 to vector<16xi32>
      %parallel_loop3A_40 = arith.constant 1 : i32
      %parallel_loop3A_41 = arith.index_cast %parallel_loop3A_40 : i32 to index
      %parallel_loop3A_42 = arith.index_cast %parallel_loop3A_29 : i32 to index
      %parallel_loop3A_43 = tpu.vector_load %arg5[%parallel_loop3A_41, %parallel_loop3A_42] {strides = array<i32>} : memref<16x512xf32, #tpu.memory_space<vmem>>, vector<16xf32>,
      %parallel_loop3A_44 = arith.constant 1 : i32
      %parallel_loop3A_45 = vector.broadcast %parallel_loop3A_44 : i32 to vector<16xi32>
      %parallel_loop3A_46 = arith.cmpf ogt, %parallel_loop3A_43, %parallel_loop3A_33 : vector<16xf32>
      %parallel_loop3A_47 = arith.cmpf ogt, %parallel_loop3A_43, %parallel_loop3A_37 : vector<16xf32>
      %parallel_loop3A_48 = arith.select %parallel_loop3A_47, %parallel_loop3A_43, %parallel_loop3A_37 : vector<16xi1>, vector<16xf32>
      %parallel_loop3A_49 = arith.select %parallel_loop3A_46, %parallel_loop3A_33, %parallel_loop3A_48 : vector<16xi1>, vector<16xf32>
      %parallel_loop3A_50 = arith.select %parallel_loop3A_47, %parallel_loop3A_45, %parallel_loop3A_39 : vector<16xi1>, vector<16xi32>
      %parallel_loop3A_51 = arith.select %parallel_loop3A_46, %parallel_loop3A_35, %parallel_loop3A_50 : vector<16xi1>, vector<16xi32>
      %parallel_loop3A_52 = arith.select %parallel_loop3A_46, %parallel_loop3A_43, %parallel_loop3A_33 : vector<16xi1>, vector<16xf32>
      %parallel_loop3A_53 = arith.select %parallel_loop3A_46, %parallel_loop3A_45, %parallel_loop3A_35 : vector<16xi1>, vector<16xi32>
      %parallel_loop3A_54 = arith.constant 2 : i32
      %parallel_loop3A_55 = arith.index_cast %parallel_loop3A_54 : i32 to index
      %parallel_loop3A_56 = arith.index_cast %parallel_loop3A_29 : i32 to index
      %parallel_loop3A_57 = tpu.vector_load %arg5[%parallel_loop3A_55, %parallel_loop3A_56] {strides = array<i32>} : memref<16x512xf32, #tpu.memory_space<vmem>>, vector<16xf32>,
      %parallel_loop3A_58 = arith.constant 2 : i32
      %parallel_loop3A_59 = vector.broadcast %parallel_loop3A_58 : i32 to vector<16xi32>
      %parallel_loop3A_60 = arith.cmpf ogt, %parallel_loop3A_57, %parallel_loop3A_52 : vector<16xf32>
      %parallel_loop3A_61 = arith.cmpf ogt, %parallel_loop3A_57, %parallel_loop3A_49 : vector<16xf32>
      %parallel_loop3A_62 = arith.select %parallel_loop3A_61, %parallel_loop3A_57, %parallel_loop3A_49 : vector<16xi1>, vector<16xf32>
      %parallel_loop3A_63 = arith.select %parallel_loop3A_60, %parallel_loop3A_52, %parallel_loop3A_62 : vector<16xi1>, vector<16xf32>
      %parallel_loop3A_64 = arith.select %parallel_loop3A_61, %parallel_loop3A_59, %parallel_loop3A_51 : vector<16xi1>, vector<16xi32>
      %parallel_loop3A_65 = arith.select %parallel_loop3A_60, %parallel_loop3A_53, %parallel_loop3A_64 : vector<16xi1>, vector<16xi32>
      %parallel_loop3A_66 = arith.select %parallel_loop3A_60, %parallel_loop3A_57, %parallel_loop3A_52 : vector<16xi1>, vector<16xf32>
      %parallel_loop3A_67 = arith.select %parallel_loop3A_60, %parallel_loop3A_59, %parallel_loop3A_53 : vector<16xi1>, vector<16xi32>
      %parallel_loop3A_68 = arith.constant 3 : i32
      %parallel_loop3A_69 = arith.index_cast %parallel_loop3A_68 : i32 to index
      %parallel_loop3A_70 = arith.index_cast %parallel_loop3A_29 : i32 to index
      %parallel_loop3A_71 = tpu.vector_load %arg5[%parallel_loop3A_69, %parallel_loop3A_70] {strides = array<i32>} : memref<16x512xf32, #tpu.memory_space<vmem>>, vector<16xf32>,
      %parallel_loop3A_72 = arith.constant 3 : i32
      %parallel_loop3A_73 = vector.broadcast %parallel_loop3A_72 : i32 to vector<16xi32>
      %parallel_loop3A_74 = arith.cmpf ogt, %parallel_loop3A_71, %parallel_loop3A_66 : vector<16xf32>
      %parallel_loop3A_75 = arith.cmpf ogt, %parallel_loop3A_71, %parallel_loop3A_63 : vector<16xf32>
      %parallel_loop3A_76 = arith.select %parallel_loop3A_75, %parallel_loop3A_71, %parallel_loop3A_63 : vector<16xi1>, vector<16xf32>
      %parallel_loop3A_77 = arith.select %parallel_loop3A_74, %parallel_loop3A_66, %parallel_loop3A_76 : vector<16xi1>, vector<16xf32>
      %parallel_loop3A_78 = arith.select %parallel_loop3A_75, %parallel_loop3A_73, %parallel_loop3A_65 : vector<16xi1>, vector<16xi32>
      %parallel_loop3A_79 = arith.select %parallel_loop3A_74, %parallel_loop3A_67, %parallel_loop3A_78 : vector<16xi1>, vector<16xi32>
      %parallel_loop3A_80 = arith.select %parallel_loop3A_74, %parallel_loop3A_71, %parallel_loop3A_66 : vector<16xi1>, vector<16xf32>
      %parallel_loop3A_81 = arith.select %parallel_loop3A_74, %parallel_loop3A_73, %parallel_loop3A_67 : vector<16xi1>, vector<16xi32>
      %parallel_loop3A_82 = arith.constant 4 : i32
      %parallel_loop3A_83 = arith.index_cast %parallel_loop3A_82 : i32 to index
      %parallel_loop3A_84 = arith.index_cast %parallel_loop3A_29 : i32 to index
      %parallel_loop3A_85 = tpu.vector_load %arg5[%parallel_loop3A_83, %parallel_loop3A_84] {strides = array<i32>} : memref<16x512xf32, #tpu.memory_space<vmem>>, vector<16xf32>,
      %parallel_loop3A_86 = arith.constant 4 : i32
      %parallel_loop3A_87 = vector.broadcast %parallel_loop3A_86 : i32 to vector<16xi32>
      %parallel_loop3A_88 = arith.cmpf ogt, %parallel_loop3A_85, %parallel_loop3A_80 : vector<16xf32>
      %parallel_loop3A_89 = arith.cmpf ogt, %parallel_loop3A_85, %parallel_loop3A_77 : vector<16xf32>
      %parallel_loop3A_90 = arith.select %parallel_loop3A_89, %parallel_loop3A_85, %parallel_loop3A_77 : vector<16xi1>, vector<16xf32>
      %parallel_loop3A_91 = arith.select %parallel_loop3A_88, %parallel_loop3A_80, %parallel_loop3A_90 : vector<16xi1>, vector<16xf32>
      %parallel_loop3A_92 = arith.select %parallel_loop3A_89, %parallel_loop3A_87, %parallel_loop3A_79 : vector<16xi1>, vector<16xi32>
      %parallel_loop3A_93 = arith.select %parallel_loop3A_88, %parallel_loop3A_81, %parallel_loop3A_92 : vector<16xi1>, vector<16xi32>
      %parallel_loop3A_94 = arith.select %parallel_loop3A_88, %parallel_loop3A_85, %parallel_loop3A_80 : vector<16xi1>, vector<16xf32>
      %parallel_loop3A_95 = arith.select %parallel_loop3A_88, %parallel_loop3A_87, %parallel_loop3A_81 : vector<16xi1>, vector<16xi32>
      %parallel_loop3A_96 = arith.constant 5 : i32
      %parallel_loop3A_97 = arith.index_cast %parallel_loop3A_96 : i32 to index
      %parallel_loop3A_98 = arith.index_cast %parallel_loop3A_29 : i32 to index
      %parallel_loop3A_99 = tpu.vector_load %arg5[%parallel_loop3A_97, %parallel_loop3A_98] {strides = array<i32>} : memref<16x512xf32, #tpu.memory_space<vmem>>, vector<16xf32>,
      %parallel_loop3A_100 = arith.constant 5 : i32
      %parallel_loop3A_101 = vector.broadcast %parallel_loop3A_100 : i32 to vector<16xi32>
      %parallel_loop3A_102 = arith.cmpf ogt, %parallel_loop3A_99, %parallel_loop3A_94 : vector<16xf32>
      %parallel_loop3A_103 = arith.cmpf ogt, %parallel_loop3A_99, %parallel_loop3A_91 : vector<16xf32>
      %parallel_loop3A_104 = arith.select %parallel_loop3A_103, %parallel_loop3A_99, %parallel_loop3A_91 : vector<16xi1>, vector<16xf32>
      %parallel_loop3A_105 = arith.select %parallel_loop3A_102, %parallel_loop3A_94, %parallel_loop3A_104 : vector<16xi1>, vector<16xf32>
      %parallel_loop3A_106 = arith.select %parallel_loop3A_103, %parallel_loop3A_101, %parallel_loop3A_93 : vector<16xi1>, vector<16xi32>
      %parallel_loop3A_107 = arith.select %parallel_loop3A_102, %parallel_loop3A_95, %parallel_loop3A_106 : vector<16xi1>, vector<16xi32>
      %parallel_loop3A_108 = arith.select %parallel_loop3A_102, %parallel_loop3A_99, %parallel_loop3A_94 : vector<16xi1>, vector<16xf32>
      %parallel_loop3A_109 = arith.select %parallel_loop3A_102, %parallel_loop3A_101, %parallel_loop3A_95 : vector<16xi1>, vector<16xi32>
      %parallel_loop3A_110 = arith.constant 6 : i32
      %parallel_loop3A_111 = arith.index_cast %parallel_loop3A_110 : i32 to index
      %parallel_loop3A_112 = arith.index_cast %parallel_loop3A_29 : i32 to index
      %parallel_loop3A_113 = tpu.vector_load %arg5[%parallel_loop3A_111, %parallel_loop3A_112] {strides = array<i32>} : memref<16x512xf32, #tpu.memory_space<vmem>>, vector<16xf32>,
      %parallel_loop3A_114 = arith.constant 6 : i32
      %parallel_loop3A_115 = vector.broadcast %parallel_loop3A_114 : i32 to vector<16xi32>
      %parallel_loop3A_116 = arith.cmpf ogt, %parallel_loop3A_113, %parallel_loop3A_108 : vector<16xf32>
      %parallel_loop3A_117 = arith.cmpf ogt, %parallel_loop3A_113, %parallel_loop3A_105 : vector<16xf32>
      %parallel_loop3A_118 = arith.select %parallel_loop3A_117, %parallel_loop3A_113, %parallel_loop3A_105 : vector<16xi1>, vector<16xf32>
      %parallel_loop3A_119 = arith.select %parallel_loop3A_116, %parallel_loop3A_108, %parallel_loop3A_118 : vector<16xi1>, vector<16xf32>
      %parallel_loop3A_120 = arith.select %parallel_loop3A_117, %parallel_loop3A_115, %parallel_loop3A_107 : vector<16xi1>, vector<16xi32>
      %parallel_loop3A_121 = arith.select %parallel_loop3A_116, %parallel_loop3A_109, %parallel_loop3A_120 : vector<16xi1>, vector<16xi32>
      %parallel_loop3A_122 = arith.select %parallel_loop3A_116, %parallel_loop3A_113, %parallel_loop3A_108 : vector<16xi1>, vector<16xf32>
      %parallel_loop3A_123 = arith.select %parallel_loop3A_116, %parallel_loop3A_115, %parallel_loop3A_109 : vector<16xi1>, vector<16xi32>
      %parallel_loop3A_124 = arith.constant 7 : i32
      %parallel_loop3A_125 = arith.index_cast %parallel_loop3A_124 : i32 to index
      %parallel_loop3A_126 = arith.index_cast %parallel_loop3A_29 : i32 to index
      %parallel_loop3A_127 = tpu.vector_load %arg5[%parallel_loop3A_125, %parallel_loop3A_126] {strides = array<i32>} : memref<16x512xf32, #tpu.memory_space<vmem>>, vector<16xf32>,
      %parallel_loop3A_128 = arith.constant 7 : i32
      %parallel_loop3A_129 = vector.broadcast %parallel_loop3A_128 : i32 to vector<16xi32>
      %parallel_loop3A_130 = arith.cmpf ogt, %parallel_loop3A_127, %parallel_loop3A_122 : vector<16xf32>
      %parallel_loop3A_131 = arith.cmpf ogt, %parallel_loop3A_127, %parallel_loop3A_119 : vector<16xf32>
      %parallel_loop3A_132 = arith.select %parallel_loop3A_131, %parallel_loop3A_127, %parallel_loop3A_119 : vector<16xi1>, vector<16xf32>
      %parallel_loop3A_133 = arith.select %parallel_loop3A_130, %parallel_loop3A_122, %parallel_loop3A_132 : vector<16xi1>, vector<16xf32>
      %parallel_loop3A_134 = arith.select %parallel_loop3A_131, %parallel_loop3A_129, %parallel_loop3A_121 : vector<16xi1>, vector<16xi32>
      %parallel_loop3A_135 = arith.select %parallel_loop3A_130, %parallel_loop3A_123, %parallel_loop3A_134 : vector<16xi1>, vector<16xi32>
      %parallel_loop3A_136 = arith.select %parallel_loop3A_130, %parallel_loop3A_127, %parallel_loop3A_122 : vector<16xi1>, vector<16xf32>
      %parallel_loop3A_137 = arith.select %parallel_loop3A_130, %parallel_loop3A_129, %parallel_loop3A_123 : vector<16xi1>, vector<16xi32>
      %parallel_loop3A_138 = arith.constant 8 : i32
      %parallel_loop3A_139 = arith.index_cast %parallel_loop3A_138 : i32 to index
      %parallel_loop3A_140 = arith.index_cast %parallel_loop3A_29 : i32 to index
      %parallel_loop3A_141 = tpu.vector_load %arg5[%parallel_loop3A_139, %parallel_loop3A_140] {strides = array<i32>} : memref<16x512xf32, #tpu.memory_space<vmem>>, vector<16xf32>,
      %parallel_loop3A_142 = arith.constant 8 : i32
      %parallel_loop3A_143 = vector.broadcast %parallel_loop3A_142 : i32 to vector<16xi32>
      %parallel_loop3A_144 = arith.cmpf ogt, %parallel_loop3A_141, %parallel_loop3A_136 : vector<16xf32>
      %parallel_loop3A_145 = arith.cmpf ogt, %parallel_loop3A_141, %parallel_loop3A_133 : vector<16xf32>
      %parallel_loop3A_146 = arith.select %parallel_loop3A_145, %parallel_loop3A_141, %parallel_loop3A_133 : vector<16xi1>, vector<16xf32>
      %parallel_loop3A_147 = arith.select %parallel_loop3A_144, %parallel_loop3A_136, %parallel_loop3A_146 : vector<16xi1>, vector<16xf32>
      %parallel_loop3A_148 = arith.select %parallel_loop3A_145, %parallel_loop3A_143, %parallel_loop3A_135 : vector<16xi1>, vector<16xi32>
      %parallel_loop3A_149 = arith.select %parallel_loop3A_144, %parallel_loop3A_137, %parallel_loop3A_148 : vector<16xi1>, vector<16xi32>
      %parallel_loop3A_150 = arith.select %parallel_loop3A_144, %parallel_loop3A_141, %parallel_loop3A_136 : vector<16xi1>, vector<16xf32>
      %parallel_loop3A_151 = arith.select %parallel_loop3A_144, %parallel_loop3A_143, %parallel_loop3A_137 : vector<16xi1>, vector<16xi32>
      %parallel_loop3A_152 = arith.constant 9 : i32
      %parallel_loop3A_153 = arith.index_cast %parallel_loop3A_152 : i32 to index
      %parallel_loop3A_154 = arith.index_cast %parallel_loop3A_29 : i32 to index
      %parallel_loop3A_155 = tpu.vector_load %arg5[%parallel_loop3A_153, %parallel_loop3A_154] {strides = array<i32>} : memref<16x512xf32, #tpu.memory_space<vmem>>, vector<16xf32>,
      %parallel_loop3A_156 = arith.constant 9 : i32
      %parallel_loop3A_157 = vector.broadcast %parallel_loop3A_156 : i32 to vector<16xi32>
      %parallel_loop3A_158 = arith.cmpf ogt, %parallel_loop3A_155, %parallel_loop3A_150 : vector<16xf32>
      %parallel_loop3A_159 = arith.cmpf ogt, %parallel_loop3A_155, %parallel_loop3A_147 : vector<16xf32>
      %parallel_loop3A_160 = arith.select %parallel_loop3A_159, %parallel_loop3A_155, %parallel_loop3A_147 : vector<16xi1>, vector<16xf32>
      %parallel_loop3A_161 = arith.select %parallel_loop3A_158, %parallel_loop3A_150, %parallel_loop3A_160 : vector<16xi1>, vector<16xf32>
      %parallel_loop3A_162 = arith.select %parallel_loop3A_159, %parallel_loop3A_157, %parallel_loop3A_149 : vector<16xi1>, vector<16xi32>
      %parallel_loop3A_163 = arith.select %parallel_loop3A_158, %parallel_loop3A_151, %parallel_loop3A_162 : vector<16xi1>, vector<16xi32>
      %parallel_loop3A_164 = arith.select %parallel_loop3A_158, %parallel_loop3A_155, %parallel_loop3A_150 : vector<16xi1>, vector<16xf32>
      %parallel_loop3A_165 = arith.select %parallel_loop3A_158, %parallel_loop3A_157, %parallel_loop3A_151 : vector<16xi1>, vector<16xi32>
      %parallel_loop3A_166 = arith.constant 10 : i32
      %parallel_loop3A_167 = arith.index_cast %parallel_loop3A_166 : i32 to index
      %parallel_loop3A_168 = arith.index_cast %parallel_loop3A_29 : i32 to index
      %parallel_loop3A_169 = tpu.vector_load %arg5[%parallel_loop3A_167, %parallel_loop3A_168] {strides = array<i32>} : memref<16x512xf32, #tpu.memory_space<vmem>>, vector<16xf32>,
      %parallel_loop3A_170 = arith.constant 10 : i32
      %parallel_loop3A_171 = vector.broadcast %parallel_loop3A_170 : i32 to vector<16xi32>
      %parallel_loop3A_172 = arith.cmpf ogt, %parallel_loop3A_169, %parallel_loop3A_164 : vector<16xf32>
      %parallel_loop3A_173 = arith.cmpf ogt, %parallel_loop3A_169, %parallel_loop3A_161 : vector<16xf32>
      %parallel_loop3A_174 = arith.select %parallel_loop3A_173, %parallel_loop3A_169, %parallel_loop3A_161 : vector<16xi1>, vector<16xf32>
      %parallel_loop3A_175 = arith.select %parallel_loop3A_172, %parallel_loop3A_164, %parallel_loop3A_174 : vector<16xi1>, vector<16xf32>
      %parallel_loop3A_176 = arith.select %parallel_loop3A_173, %parallel_loop3A_171, %parallel_loop3A_163 : vector<16xi1>, vector<16xi32>
      %parallel_loop3A_177 = arith.select %parallel_loop3A_172, %parallel_loop3A_165, %parallel_loop3A_176 : vector<16xi1>, vector<16xi32>
      %parallel_loop3A_178 = arith.select %parallel_loop3A_172, %parallel_loop3A_169, %parallel_loop3A_164 : vector<16xi1>, vector<16xf32>
      %parallel_loop3A_179 = arith.select %parallel_loop3A_172, %parallel_loop3A_171, %parallel_loop3A_165 : vector<16xi1>, vector<16xi32>
      %parallel_loop3A_180 = arith.constant 11 : i32
      %parallel_loop3A_181 = arith.index_cast %parallel_loop3A_180 : i32 to index
      %parallel_loop3A_182 = arith.index_cast %parallel_loop3A_29 : i32 to index
      %parallel_loop3A_183 = tpu.vector_load %arg5[%parallel_loop3A_181, %parallel_loop3A_182] {strides = array<i32>} : memref<16x512xf32, #tpu.memory_space<vmem>>, vector<16xf32>,
      %parallel_loop3A_184 = arith.constant 11 : i32
      %parallel_loop3A_185 = vector.broadcast %parallel_loop3A_184 : i32 to vector<16xi32>
      %parallel_loop3A_186 = arith.cmpf ogt, %parallel_loop3A_183, %parallel_loop3A_178 : vector<16xf32>
      %parallel_loop3A_187 = arith.cmpf ogt, %parallel_loop3A_183, %parallel_loop3A_175 : vector<16xf32>
      %parallel_loop3A_188 = arith.select %parallel_loop3A_187, %parallel_loop3A_183, %parallel_loop3A_175 : vector<16xi1>, vector<16xf32>
      %parallel_loop3A_189 = arith.select %parallel_loop3A_186, %parallel_loop3A_178, %parallel_loop3A_188 : vector<16xi1>, vector<16xf32>
      %parallel_loop3A_190 = arith.select %parallel_loop3A_187, %parallel_loop3A_185, %parallel_loop3A_177 : vector<16xi1>, vector<16xi32>
      %parallel_loop3A_191 = arith.select %parallel_loop3A_186, %parallel_loop3A_179, %parallel_loop3A_190 : vector<16xi1>, vector<16xi32>
      %parallel_loop3A_192 = arith.select %parallel_loop3A_186, %parallel_loop3A_183, %parallel_loop3A_178 : vector<16xi1>, vector<16xf32>
      %parallel_loop3A_193 = arith.select %parallel_loop3A_186, %parallel_loop3A_185, %parallel_loop3A_179 : vector<16xi1>, vector<16xi32>
      %parallel_loop3A_194 = arith.constant 12 : i32
      %parallel_loop3A_195 = arith.index_cast %parallel_loop3A_194 : i32 to index
      %parallel_loop3A_196 = arith.index_cast %parallel_loop3A_29 : i32 to index
      %parallel_loop3A_197 = tpu.vector_load %arg5[%parallel_loop3A_195, %parallel_loop3A_196] {strides = array<i32>} : memref<16x512xf32, #tpu.memory_space<vmem>>, vector<16xf32>,
      %parallel_loop3A_198 = arith.constant 12 : i32
      %parallel_loop3A_199 = vector.broadcast %parallel_loop3A_198 : i32 to vector<16xi32>
      %parallel_loop3A_200 = arith.cmpf ogt, %parallel_loop3A_197, %parallel_loop3A_192 : vector<16xf32>
      %parallel_loop3A_201 = arith.cmpf ogt, %parallel_loop3A_197, %parallel_loop3A_189 : vector<16xf32>
      %parallel_loop3A_202 = arith.select %parallel_loop3A_201, %parallel_loop3A_197, %parallel_loop3A_189 : vector<16xi1>, vector<16xf32>
      %parallel_loop3A_203 = arith.select %parallel_loop3A_200, %parallel_loop3A_192, %parallel_loop3A_202 : vector<16xi1>, vector<16xf32>
      %parallel_loop3A_204 = arith.select %parallel_loop3A_201, %parallel_loop3A_199, %parallel_loop3A_191 : vector<16xi1>, vector<16xi32>
      %parallel_loop3A_205 = arith.select %parallel_loop3A_200, %parallel_loop3A_193, %parallel_loop3A_204 : vector<16xi1>, vector<16xi32>
      %parallel_loop3A_206 = arith.select %parallel_loop3A_200, %parallel_loop3A_197, %parallel_loop3A_192 : vector<16xi1>, vector<16xf32>
      %parallel_loop3A_207 = arith.select %parallel_loop3A_200, %parallel_loop3A_199, %parallel_loop3A_193 : vector<16xi1>, vector<16xi32>
      %parallel_loop3A_208 = arith.constant 13 : i32
      %parallel_loop3A_209 = arith.index_cast %parallel_loop3A_208 : i32 to index
      %parallel_loop3A_210 = arith.index_cast %parallel_loop3A_29 : i32 to index
      %parallel_loop3A_211 = tpu.vector_load %arg5[%parallel_loop3A_209, %parallel_loop3A_210] {strides = array<i32>} : memref<16x512xf32, #tpu.memory_space<vmem>>, vector<16xf32>,
      %parallel_loop3A_212 = arith.constant 13 : i32
      %parallel_loop3A_213 = vector.broadcast %parallel_loop3A_212 : i32 to vector<16xi32>
      %parallel_loop3A_214 = arith.cmpf ogt, %parallel_loop3A_211, %parallel_loop3A_206 : vector<16xf32>
      %parallel_loop3A_215 = arith.cmpf ogt, %parallel_loop3A_211, %parallel_loop3A_203 : vector<16xf32>
      %parallel_loop3A_216 = arith.select %parallel_loop3A_215, %parallel_loop3A_211, %parallel_loop3A_203 : vector<16xi1>, vector<16xf32>
      %parallel_loop3A_217 = arith.select %parallel_loop3A_214, %parallel_loop3A_206, %parallel_loop3A_216 : vector<16xi1>, vector<16xf32>
      %parallel_loop3A_218 = arith.select %parallel_loop3A_215, %parallel_loop3A_213, %parallel_loop3A_205 : vector<16xi1>, vector<16xi32>
      %parallel_loop3A_219 = arith.select %parallel_loop3A_214, %parallel_loop3A_207, %parallel_loop3A_218 : vector<16xi1>, vector<16xi32>
      %parallel_loop3A_220 = arith.select %parallel_loop3A_214, %parallel_loop3A_211, %parallel_loop3A_206 : vector<16xi1>, vector<16xf32>
      %parallel_loop3A_221 = arith.select %parallel_loop3A_214, %parallel_loop3A_213, %parallel_loop3A_207 : vector<16xi1>, vector<16xi32>
      %parallel_loop3A_222 = arith.constant 14 : i32
      %parallel_loop3A_223 = arith.index_cast %parallel_loop3A_222 : i32 to index
      %parallel_loop3A_224 = arith.index_cast %parallel_loop3A_29 : i32 to index
      %parallel_loop3A_225 = tpu.vector_load %arg5[%parallel_loop3A_223, %parallel_loop3A_224] {strides = array<i32>} : memref<16x512xf32, #tpu.memory_space<vmem>>, vector<16xf32>,
      %parallel_loop3A_226 = arith.constant 14 : i32
      %parallel_loop3A_227 = vector.broadcast %parallel_loop3A_226 : i32 to vector<16xi32>
      %parallel_loop3A_228 = arith.cmpf ogt, %parallel_loop3A_225, %parallel_loop3A_220 : vector<16xf32>
      %parallel_loop3A_229 = arith.cmpf ogt, %parallel_loop3A_225, %parallel_loop3A_217 : vector<16xf32>
      %parallel_loop3A_230 = arith.select %parallel_loop3A_229, %parallel_loop3A_225, %parallel_loop3A_217 : vector<16xi1>, vector<16xf32>
      %parallel_loop3A_231 = arith.select %parallel_loop3A_228, %parallel_loop3A_220, %parallel_loop3A_230 : vector<16xi1>, vector<16xf32>
      %parallel_loop3A_232 = arith.select %parallel_loop3A_229, %parallel_loop3A_227, %parallel_loop3A_219 : vector<16xi1>, vector<16xi32>
      %parallel_loop3A_233 = arith.select %parallel_loop3A_228, %parallel_loop3A_221, %parallel_loop3A_232 : vector<16xi1>, vector<16xi32>
      %parallel_loop3A_234 = arith.select %parallel_loop3A_228, %parallel_loop3A_225, %parallel_loop3A_220 : vector<16xi1>, vector<16xf32>
      %parallel_loop3A_235 = arith.select %parallel_loop3A_228, %parallel_loop3A_227, %parallel_loop3A_221 : vector<16xi1>, vector<16xi32>
      %parallel_loop3A_236 = arith.constant 15 : i32
      %parallel_loop3A_237 = arith.index_cast %parallel_loop3A_236 : i32 to index
      %parallel_loop3A_238 = arith.index_cast %parallel_loop3A_29 : i32 to index
      %parallel_loop3A_239 = tpu.vector_load %arg5[%parallel_loop3A_237, %parallel_loop3A_238] {strides = array<i32>} : memref<16x512xf32, #tpu.memory_space<vmem>>, vector<16xf32>,
      %parallel_loop3A_240 = arith.constant 15 : i32
      %parallel_loop3A_241 = vector.broadcast %parallel_loop3A_240 : i32 to vector<16xi32>
      %parallel_loop3A_242 = arith.cmpf ogt, %parallel_loop3A_239, %parallel_loop3A_234 : vector<16xf32>
      %parallel_loop3A_243 = arith.cmpf ogt, %parallel_loop3A_239, %parallel_loop3A_231 : vector<16xf32>
      %parallel_loop3A_244 = arith.select %parallel_loop3A_243, %parallel_loop3A_239, %parallel_loop3A_231 : vector<16xi1>, vector<16xf32>
      %parallel_loop3A_245 = arith.select %parallel_loop3A_242, %parallel_loop3A_234, %parallel_loop3A_244 : vector<16xi1>, vector<16xf32>
      %parallel_loop3A_246 = arith.select %parallel_loop3A_243, %parallel_loop3A_241, %parallel_loop3A_233 : vector<16xi1>, vector<16xi32>
      %parallel_loop3A_247 = arith.select %parallel_loop3A_242, %parallel_loop3A_235, %parallel_loop3A_246 : vector<16xi1>, vector<16xi32>
      %parallel_loop3A_248 = arith.select %parallel_loop3A_242, %parallel_loop3A_239, %parallel_loop3A_234 : vector<16xi1>, vector<16xf32>
      %parallel_loop3A_249 = arith.select %parallel_loop3A_242, %parallel_loop3A_241, %parallel_loop3A_235 : vector<16xi1>, vector<16xi32>
      %parallel_loop3A_250 = arith.subf %parallel_loop3A_245, %parallel_loop3A_248 : vector<16xf32>
      %parallel_loop3A_251 = math.exp %parallel_loop3A_250 : vector<16xf32>
      %parallel_loop3A_252 = arith.constant 1.000000e+00 : f32
      %parallel_loop3A_253 = vector.broadcast %parallel_loop3A_252 : f32 to vector<16xf32>
      %parallel_loop3A_254 = arith.addf %parallel_loop3A_253, %parallel_loop3A_251 : vector<16xf32>
      %parallel_loop3A_255 = arith.constant 1.000000e+00 : f32
      %parallel_loop3A_256 = vector.broadcast %parallel_loop3A_255 : f32 to vector<16xf32>
      %parallel_loop3A_257 = arith.divf %parallel_loop3A_256, %parallel_loop3A_254 : vector<16xf32>
      %parallel_loop3A_258 = arith.constant 0 : i32
      %parallel_loop3A_259 = arith.index_cast %parallel_loop3A_258 : i32 to index
      %parallel_loop3A_260 = arith.index_cast %parallel_loop3A_29 : i32 to index
      %parallel_loop3A_261 = tpu.vector_load %arg6[%parallel_loop3A_259, %parallel_loop3A_260] {strides = array<i32>} : memref<2x512xi32, #tpu.memory_space<vmem>>, vector<16xi32>,
      tpu.vector_store %arg6[%parallel_loop3A_259, %parallel_loop3A_260], %parallel_loop3A_249 {strides = array<i32>} : memref<2x512xi32, #tpu.memory_space<vmem>>, vector<16xi32>,
      %parallel_loop3A_262 = arith.constant 1 : i32
      %parallel_loop3A_263 = arith.index_cast %parallel_loop3A_262 : i32 to index
      %parallel_loop3A_264 = arith.index_cast %parallel_loop3A_29 : i32 to index
      %parallel_loop3A_265 = tpu.vector_load %arg6[%parallel_loop3A_263, %parallel_loop3A_264] {strides = array<i32>} : memref<2x512xi32, #tpu.memory_space<vmem>>, vector<16xi32>,
      tpu.vector_store %arg6[%parallel_loop3A_263, %parallel_loop3A_264], %parallel_loop3A_247 {strides = array<i32>} : memref<2x512xi32, #tpu.memory_space<vmem>>, vector<16xi32>,
      %parallel_loop3A_266 = arith.constant 0 : i32
      %parallel_loop3A_267 = arith.index_cast %parallel_loop3A_266 : i32 to index
      %parallel_loop3A_268 = arith.index_cast %parallel_loop3A_29 : i32 to index
      %parallel_loop3A_269 = tpu.vector_load %arg7[%parallel_loop3A_267, %parallel_loop3A_268] {strides = array<i32>} : memref<2x512xf32, #tpu.memory_space<vmem>>, vector<16xf32>,
      tpu.vector_store %arg7[%parallel_loop3A_267, %parallel_loop3A_268], %parallel_loop3A_257 {strides = array<i32>} : memref<2x512xf32, #tpu.memory_space<vmem>>, vector<16xf32>,
      %parallel_loop3A_270 = arith.mulf %parallel_loop3A_251, %parallel_loop3A_257 : vector<16xf32>
      %parallel_loop3A_271 = arith.constant 1 : i32
      %parallel_loop3A_272 = arith.index_cast %parallel_loop3A_271 : i32 to index
      %parallel_loop3A_273 = arith.index_cast %parallel_loop3A_29 : i32 to index
      %parallel_loop3A_274 = tpu.vector_load %arg7[%parallel_loop3A_272, %parallel_loop3A_273] {strides = array<i32>} : memref<2x512xf32, #tpu.memory_space<vmem>>, vector<16xf32>,
      tpu.vector_store %arg7[%parallel_loop3A_272, %parallel_loop3A_273], %parallel_loop3A_270 {strides = array<i32>} : memref<2x512xf32, #tpu.memory_space<vmem>>, vector<16xf32>,
    } {sc.loop_unroll_factor = 2 : i64, sc.parallel_access}
    %dma_start3A_11 = arith.constant 0 : i32
    %dma_start3A_12 = tpu.memref_slice %arg3[%dma_start3A_11, %mul3A_2] : memref<2x16384xi32, #tpu.memory_space<hbm>> -> memref<2x512xi32, #tpu.memory_space<hbm>>
    %dma_start3A_13 = arith.constant 0 : i32
    %dma_start3A_14 = tpu.memref_slice %arg3[%dma_start3A_13, %mul3A_2] : memref<2x16384xi32, #tpu.memory_space<hbm>> -> memref<2x512xi32, #tpu.memory_space<hbm>>
    tpu.enqueue_dma source(%arg6 : memref<2x512xi32, #tpu.memory_space<vmem>>) target(%dma_start3A_14 : memref<2x512xi32, #tpu.memory_space<hbm>>) target_semaphore(%arg8 : memref<!tpu.dma_semaphore, #tpu.memory_space<semaphore_mem>>)
    %dma_wait3A_15 = arith.constant 0 : i32
    %dma_wait3A_16 = tpu.memref_slice %arg3[%dma_wait3A_15, %mul3A_2] : memref<2x16384xi32, #tpu.memory_space<hbm>> -> memref<2x512xi32, #tpu.memory_space<hbm>>
    %dma_wait3A_17 = arith.constant 0 : i32
    %dma_wait3A_18 = tpu.memref_slice %arg3[%dma_wait3A_17, %mul3A_2] : memref<2x16384xi32, #tpu.memory_space<hbm>> -> memref<2x512xi32, #tpu.memory_space<hbm>>
    tpu.wait_dma2 semaphore(%arg8 : memref<!tpu.dma_semaphore, #tpu.memory_space<semaphore_mem>>) src(%arg6 : memref<2x512xi32, #tpu.memory_space<vmem>>) dst(%dma_wait3A_18 : memref<2x512xi32, #tpu.memory_space<hbm>>)
    %dma_start3A_19 = arith.constant 0 : i32
    %dma_start3A_20 = tpu.memref_slice %arg4[%dma_start3A_19, %mul3A_2] : memref<2x16384xf32, #tpu.memory_space<hbm>> -> memref<2x512xf32, #tpu.memory_space<hbm>>
    %dma_start3A_21 = arith.constant 0 : i32
    %dma_start3A_22 = tpu.memref_slice %arg4[%dma_start3A_21, %mul3A_2] : memref<2x16384xf32, #tpu.memory_space<hbm>> -> memref<2x512xf32, #tpu.memory_space<hbm>>
    tpu.enqueue_dma source(%arg7 : memref<2x512xf32, #tpu.memory_space<vmem>>) target(%dma_start3A_22 : memref<2x512xf32, #tpu.memory_space<hbm>>) target_semaphore(%arg8 : memref<!tpu.dma_semaphore, #tpu.memory_space<semaphore_mem>>)
    %dma_wait3A_23 = arith.constant 0 : i32
    %dma_wait3A_24 = tpu.memref_slice %arg4[%dma_wait3A_23, %mul3A_2] : memref<2x16384xf32, #tpu.memory_space<hbm>> -> memref<2x512xf32, #tpu.memory_space<hbm>>
    %dma_wait3A_25 = arith.constant 0 : i32
    %dma_wait3A_26 = tpu.memref_slice %arg4[%dma_wait3A_25, %mul3A_2] : memref<2x16384xf32, #tpu.memory_space<hbm>> -> memref<2x512xf32, #tpu.memory_space<hbm>>
    tpu.wait_dma2 semaphore(%arg8 : memref<!tpu.dma_semaphore, #tpu.memory_space<semaphore_mem>>) src(%arg7 : memref<2x512xf32, #tpu.memory_space<vmem>>) dst(%dma_wait3A_26 : memref<2x512xf32, #tpu.memory_space<hbm>>)
    return
  }
}

module attributes {stable_mosaic.version = 14 : i64} {
  func.func @_tc_body(%arg0: i32, %arg1: memref<1024x2048xf32, #tpu.memory_space<vmem>>, %arg2: memref<16x2048xf32, #tpu.memory_space<vmem>>, %arg3: memref<16x1024xf32, #tpu.memory_space<vmem>>, %arg4: memref<16x128xf32, #tpu.memory_space<vmem>>, %arg5: memref<1x1xf32, #tpu.memory_space<vmem>>, %arg6: memref<16x128xf32, #tpu.memory_space<vmem>>) attributes {dimension_semantics = [#tpu.dimension_semantics<arbitrary>], iteration_bounds = array<i64: 16>, scalar_prefetch = 0 : i64, scratch_operands = 1 : i64, tpu.core_type = #tpu.core_type<tc>, window_params = [{transform_indices = @transform_0, window_bounds = array<i64: 1024, 2048>}, {pipeline_mode = #tpu.pipeline_mode<synchronous>, transform_indices = @transform_1, window_bounds = array<i64: 16, 2048>}, {transform_indices = @transform_2, window_bounds = array<i64: 16, 1024>}, {pipeline_mode = #tpu.pipeline_mode<synchronous>, transform_indices = @transform_3, window_bounds = array<i64: 16, 128>}, {pipeline_mode = #tpu.pipeline_mode<synchronous>, transform_indices = @transform_4, window_bounds = array<i64: 1, 1>}]} {
    %get3A = arith.constant 0 : index
    %get3A_0 = arith.constant 0 : index
    %get3A_1 = vector.load %arg2[%get3A, %get3A_0] : memref<16x2048xf32, #tpu.memory_space<vmem>>, vector<16x2048xf32>
    %get3A_2 = arith.constant 0 : index
    %get3A_3 = arith.constant 0 : index
    %get3A_4 = vector.load %arg1[%get3A_2, %get3A_3] : memref<1024x2048xf32, #tpu.memory_space<vmem>>, vector<1024x2048xf32>
    %dot_general3A = arith.constant dense<0.000000e+00> : vector<16x1024xf32>
    %dot_general3A_5 = tpu.matmul %get3A_1, %get3A_4, %dot_general3A {dimension_numbers = #tpu.dot_dimension_numbers<[1], [1], [0], [0], [0, 0, 1, 0], [], []>, transpose_lhs_hint = false} : vector<16x2048xf32>, vector<1024x2048xf32>, vector<16x1024xf32> -> vector<16x1024xf32>
    %swap3A = arith.constant 0 : index
    %swap3A_6 = arith.constant 0 : index
    %swap3A_7 = vector.load %arg3[%swap3A, %swap3A_6] : memref<16x1024xf32, #tpu.memory_space<vmem>>, vector<16x1024xf32>
    tpu.vector_store %arg3[%swap3A, %swap3A_6], %dot_general3A_5 {strides = array<i32>} : memref<16x1024xf32, #tpu.memory_space<vmem>>, vector<16x1024xf32>,
    %reduce_max3A = arith.constant dense<0xFF800000> : vector<1024xf32>
    %reduce_max3A_8 = vector.multi_reduction <maximumf>, %dot_general3A_5, %reduce_max3A [0] : vector<16x1024xf32> to vector<1024xf32>
    %broadcast_in_dim3A = vector.shape_cast %reduce_max3A_8 : vector<1024xf32> to vector<1x1024xf32>
    %sub3A = vector.broadcast %broadcast_in_dim3A : vector<1x1024xf32> to vector<16x1024xf32>
    %sub3A_9 = arith.subf %dot_general3A_5, %sub3A : vector<16x1024xf32>
    %exp3A = math.exp %sub3A_9 : vector<16x1024xf32>
    %reduce_sum3A = arith.constant dense<0.000000e+00> : vector<1024xf32>
    %reduce_sum3A_10 = vector.multi_reduction <add>, %exp3A, %reduce_sum3A [0] : vector<16x1024xf32> to vector<1024xf32>
    %broadcast_in_dim3A_11 = vector.shape_cast %reduce_sum3A_10 : vector<1024xf32> to vector<1x1024xf32>
    %div3A = vector.broadcast %broadcast_in_dim3A_11 : vector<1x1024xf32> to vector<16x1024xf32>
    %div3A_12 = arith.divf %exp3A, %div3A : vector<16x1024xf32>
    %reduce_sum3A_13 = arith.constant dense<0.000000e+00> : vector<16xf32>
    %reduce_sum3A_14 = vector.multi_reduction <add>, %div3A_12, %reduce_sum3A_13 [1] : vector<16x1024xf32> to vector<16xf32>
    %broadcast_in_dim3A_15 = vector.shape_cast %reduce_sum3A_14 : vector<16xf32> to vector<16x1xf32>
    %eq3A = arith.constant 0 : i32
    %eq3A_16 = arith.cmpi eq, %arg0, %eq3A : i32
    %convert_element_type3A = arith.extui %eq3A_16 : i1 to i32
    %cond3A = arith.constant 0 : i32
    %cond3A_17 = arith.cmpi ne, %convert_element_type3A, %cond3A : i32
    scf.if %cond3A_17 {
      %broadcast_in_dim3A_29 = arith.constant 0.000000e+00 : f32
      %broadcast_in_dim3A_30 = vector.broadcast %broadcast_in_dim3A_29 : f32 to vector<16x128xf32>
      %swap3A_31 = arith.constant 0 : index
      %swap3A_32 = arith.constant 0 : index
      %swap3A_33 = vector.load %arg6[%swap3A_31, %swap3A_32] : memref<16x128xf32, #tpu.memory_space<vmem>>, vector<16x128xf32>
      tpu.vector_store %arg6[%swap3A_31, %swap3A_32], %broadcast_in_dim3A_30 {strides = array<i32>} : memref<16x128xf32, #tpu.memory_space<vmem>>, vector<16x128xf32>,
    } else {
    }
    %get3A_18 = arith.constant 0 : index
    %get3A_19 = arith.constant 0 : index
    %get3A_20 = vector.load %arg6[%get3A_18, %get3A_19] : memref<16x128xf32, #tpu.memory_space<vmem>>, vector<16x1xf32>
    %add3A = arith.addf %get3A_20, %broadcast_in_dim3A_15 : vector<16x1xf32>
    %swap3A_21 = arith.constant 0 : index
    %swap3A_22 = arith.constant 0 : index
    %swap3A_23 = vector.load %arg6[%swap3A_21, %swap3A_22] : memref<16x128xf32, #tpu.memory_space<vmem>>, vector<16x1xf32>
    tpu.vector_store %arg6[%swap3A_21, %swap3A_22], %add3A {strides = array<i32>} : memref<16x128xf32, #tpu.memory_space<vmem>>, vector<16x1xf32>,
    %eq3A_24 = arith.constant 15 : i32
    %eq3A_25 = arith.cmpi eq, %arg0, %eq3A_24 : i32
    %convert_element_type3A_26 = arith.extui %eq3A_25 : i1 to i32
    %cond3A_27 = arith.constant 0 : i32
    %cond3A_28 = arith.cmpi ne, %convert_element_type3A_26, %cond3A_27 : i32
    scf.if %cond3A_28 {
      %get3A_29 = arith.constant 0 : index
      %get3A_30 = arith.constant 0 : index
      %get3A_31 = vector.load %arg6[%get3A_29, %get3A_30] : memref<16x128xf32, #tpu.memory_space<vmem>>, vector<16x128xf32>
      %swap3A_32 = arith.constant 0 : index
      %swap3A_33 = arith.constant 0 : index
      %swap3A_34 = vector.load %arg4[%swap3A_32, %swap3A_33] : memref<16x128xf32, #tpu.memory_space<vmem>>, vector<16x128xf32>
      tpu.vector_store %arg4[%swap3A_32, %swap3A_33], %get3A_31 {strides = array<i32>} : memref<16x128xf32, #tpu.memory_space<vmem>>, vector<16x128xf32>,
      %get3A_35 = arith.constant 0 : index
      %get3A_36 = arith.constant 0 : index
      %get3A_37 = vector.load %arg6[%get3A_35, %get3A_36] : memref<16x128xf32, #tpu.memory_space<vmem>>, vector<16x1xf32>
      %div3A_38 = arith.constant 1.638400e+04 : f32
      %div3A_39 = vector.broadcast %div3A_38 : f32 to vector<16x1xf32>
      %div3A_40 = arith.divf %get3A_37, %div3A_39 : vector<16x1xf32>
      %reduce_sum3A_41 = arith.constant dense<0.000000e+00> : vector<1xf32>
      %reduce_sum3A_42 = vector.multi_reduction <add>, %div3A_40, %reduce_sum3A_41 [0] : vector<16x1xf32> to vector<1xf32>
      %broadcast_in_dim3A_43 = vector.shape_cast %reduce_sum3A_42 : vector<1xf32> to vector<1x1xf32>
      %div3A_44 = arith.constant 1.600000e+01 : f32
      %div3A_45 = vector.broadcast %div3A_44 : f32 to vector<1x1xf32>
      %div3A_46 = arith.divf %broadcast_in_dim3A_43, %div3A_45 : vector<1x1xf32>
      %sub3A_47 = vector.broadcast %div3A_46 : vector<1x1xf32> to vector<16x1xf32>
      %sub3A_48 = arith.subf %div3A_40, %sub3A_47 : vector<16x1xf32>
      %integer_pow3A = arith.mulf %sub3A_48, %sub3A_48 : vector<16x1xf32>
      %reduce_sum3A_49 = arith.constant dense<0.000000e+00> : vector<1xf32>
      %reduce_sum3A_50 = vector.multi_reduction <add>, %integer_pow3A, %reduce_sum3A_49 [0] : vector<16x1xf32> to vector<1xf32>
      %broadcast_in_dim3A_51 = vector.shape_cast %reduce_sum3A_50 : vector<1xf32> to vector<1x1xf32>
      %div3A_52 = arith.constant 1.500000e+01 : f32
      %div3A_53 = vector.broadcast %div3A_52 : f32 to vector<1x1xf32>
      %div3A_54 = arith.divf %broadcast_in_dim3A_51, %div3A_53 : vector<1x1xf32>
      %add3A_55 = arith.constant 9.99999997E-7 : f32
      %add3A_56 = vector.broadcast %add3A_55 : f32 to vector<1x1xf32>
      %add3A_57 = arith.addf %div3A_46, %add3A_56 : vector<1x1xf32>
      %integer_pow3A_58 = arith.mulf %add3A_57, %add3A_57 : vector<1x1xf32>
      %div3A_59 = arith.divf %div3A_54, %integer_pow3A_58 : vector<1x1xf32>
      %swap3A_60 = arith.constant 0 : index
      %swap3A_61 = arith.constant 0 : index
      %swap3A_62 = vector.load %arg5[%swap3A_60, %swap3A_61] : memref<1x1xf32, #tpu.memory_space<vmem>>, vector<1x1xf32>
      tpu.vector_store %arg5[%swap3A_60, %swap3A_61], %div3A_59 {strides = array<i32>} : memref<1x1xf32, #tpu.memory_space<vmem>>, vector<1x1xf32>,
    } else {
    }
    return
  }
  func.func @transform_0(%arg0: i32) -> (i32, i32) {
    %c0_i32 = arith.constant 0 : i32
    %c0_i32_0 = arith.constant 0 : i32
    return %arg0, %c0_i32 : i32, i32
  }
  func.func @transform_1(%arg0: i32) -> (i32, i32) {
    %c0_i32 = arith.constant 0 : i32
    %c0_i32_0 = arith.constant 0 : i32
    %c0_i32_1 = arith.constant 0 : i32
    return %c0_i32, %c0_i32_0 : i32, i32
  }
  func.func @transform_2(%arg0: i32) -> (i32, i32) {
    %c0_i32 = arith.constant 0 : i32
    %c0_i32_0 = arith.constant 0 : i32
    return %c0_i32, %arg0 : i32, i32
  }
  func.func @transform_3(%arg0: i32) -> (i32, i32) {
    %c0_i32 = arith.constant 0 : i32
    %c0_i32_0 = arith.constant 0 : i32
    %c0_i32_1 = arith.constant 0 : i32
    return %c0_i32, %c0_i32_0 : i32, i32
  }
  func.func @transform_4(%arg0: i32) -> (i32, i32) {
    %c0_i32 = arith.constant 0 : i32
    %c0_i32_0 = arith.constant 0 : i32
    %c0_i32_1 = arith.constant 0 : i32
    return %c0_i32, %c0_i32_0 : i32, i32
  }
}

</mosaic_0001>

<sc_bundles>
// kernel: kernel.4.cloned.1.call-start
scs
__scs_entry_jumppad:
0x0: {  	(pc) =	sbr.rel $0x88, $3  }
0x1: {  	(tag) =	ssettag $0x0;
	lr =	simm.s32 $0x1  }
0x2: {  	[smem:$0x3F9F] =	sst lr;
	_ =	strace $0xD0000000  }
0x3: {  	_ = 	snop  }
0x4: {  	_ = 	snop  }
0x5: {  	_ = 	snop  }
0x6: {  	_ = 	snop  }
0x7: {  	_ = 	snop  }
__scs_overlays_trampoline_lowered:
0x8: {  	[smem:$0x3FAE] =	sst s0  }
0x9: {  	[smem:$0x3FAF] =	sst s1  }
0xa: {  	[smem:$0x3FB0] =	sst s2  }
0xb: {  	[smem:$0x3FB1] =	sst s3  }
0xc: {  	[smem:$0x3FB2] =	sst s4  }
0xd: {  	[smem:$0x3FB3] =	sst s5  }
0xe: {  	[smem:$0x3FB4] =	sst s6  }
0xf: {  	[smem:$0x3FB5] =	sst s7  }
0x10: {  	[smem:$0x3FB6] =	sst s8  }
0x11: {  	[smem:$0x3FB7] =	sst s9;
	s0 =	simm.s32 @!p0 $0x0  }
0x12: {  	s1 =	sld [smem:$0x3F9D];
	s0 =	simm.s32 @p0 $0x1  }
0x13: {  	[smem:$0x3FB8] =	sst s0;
	s0 =	simm.s32 @!p1 $0x0  }
0x14: {  	s2 =	sld [smem:$0x3F9C];
	s0 =	simm.s32 @p1 $0x1  }
0x15: {  	[smem:$0x3FB9] =	sst s0;
	s0 =	simm.s32 @!p2 $0x0  }
0x16: {  	s3 =	sld [smem:$0x3FDB];
	s0 =	simm.s32 @p2 $0x1  }
0x17: {  	s4 =	simm.s32 $0x1BF5;
	[smem:$0x3FBB] =	sst s0  }
0x18: {  	s0 =	sld [smem:$0x3F9E];
	_ =	swait.ge [sflag:s4], $0x0  }
0x19: {  	s7 =	sld [smem:$0x3F9F]  }
0x1a: {  	s8 =	sadd.s32 $0xFFFFE003, lr  }
0x1b: {  	s9 =	sadd.s32 $0xFFFFFEF7, lr;
	s5 =	simm.s32 $0xFFFFFFFF;
	p2 =	slt.u32 s8, $0xFFFFF086  }
0x1c: {  	p1 =	slt.u32 s9, $0xF7A;
	s5 =	simm.s32 @!p2 $0x0  }
0x1d: {  	s5 =	simm.s32 @p1 $0x1;
	p0 =	seq.s32 s7, s2  }
0x1e: {  	s7 =	smul.u32 @!p0 $0xF7A, s2;
	p2 =	seq.s32 @!p0 s5, $0x0  }
0x1f: {  	s9 =	smul.u32 $0xF7A, s1;
	s8 =	simm.s32 @!p0 $0x1BF5;
	p2 =	por !p2, p0  }
0x20: {  	[sflag:s8] =	ssyncset.s32 @!p0 $0xFFFFF086;
	s6 =	sadd.s32 @!p0 s3, s7;
	s7 =	simm.s32 @!p0 $0x108  }
0x21: {  	s3 =	sadd.s32 s3, s9;
	s6 =	sadd.s32 @!p0 $0x88, s6;
	s7 =	simm.s32 @p2 $0x1082  }
0x22: {  	[simem:s7], [sflag:s8] =	dma.local @!p0 [hbm:s6], $0xF7A  }
0x23: {  	s9 =	sor.u32 $0xD0000000, s2;
	s6 =	simm.s32 $0x108;
	_ =	swait.ge @!p0 [sflag:s8], $0x0  }
0x24: {  	s3 =	sadd.s32 $0x88, s3;
	s6 =	simm.s32 @!p1 $0x1082;
	[sflag:s4] =	ssyncset.s32 $0xFFFFF086  }
0x25: {  	[simem:s6], [sflag:s4] =	dma.local [hbm:s3], $0xF7A  }
0x26: {  	[smem:$0x3F9F] =	sst s1;
	(tag) =	ssettag s2;
	_ =	strace s9  }
0x27: {  	s1 =	sld [smem:$0x3FAF]  }
0x28: {  	s2 =	sld [smem:$0x3FB0]  }
0x29: {  	s4 =	sld [smem:$0x3FB2]  }
0x2a: {  	p0 =	seq.s32 s5, $0x0;
	s5 =	sld [smem:$0x3FB3]  }
0x2b: {  	s6 =	sld [smem:$0x3FB4]  }
0x2c: {  	s7 =	sld [smem:$0x3FB5]  }
0x2d: {  	s3 =	simm.s32 $0x108;
	s8 =	sld [smem:$0x3FB6]  }
0x2e: {  	s3 =	simm.s32 @!p0 $0x1082;
	s9 =	sld [smem:$0x3FB7]  }
0x2f: {  	lr =	sadd.s32 s0, s3;
	s0 =	sld [smem:$0x3FAE]  }
0x30: {  	s3 =	sld [smem:$0x3FB1]  }
0x31: {  	[smem:$0x3FBA] =	sst s10  }
0x32: {  	s10 =	sld [smem:$0x3FB8];
	_ =	sdelay $0x3  }
0x33: {  	p0 =	seq.s32 s10, $0x1;
	s10 =	sld [smem:$0x3FBA];
	_ =	sdelay $0x3  }
0x34: {  	[smem:$0x3FBA] =	sst s10  }
0x35: {  	s10 =	sld [smem:$0x3FB9];
	_ =	sdelay $0x3  }
0x36: {  	p1 =	seq.s32 s10, $0x1;
	s10 =	sld [smem:$0x3FBA];
	_ =	sdelay $0x3  }
0x37: {  	[smem:$0x3FBA] =	sst s10  }
0x38: {  	s10 =	sld [smem:$0x3FBB]  }
0x39: {  	_ = 	snop;
	(pc) =	sbr.ind lr, $3  }
0x3a: {  	_ = 	snop  }
0x3b: {  	_ = 	snop  }
0x3c: {  	p2 =	seq.s32 s10, $0x1;
	s10 =	sld [smem:$0x3FBA]  }
0x3d: {  	_ =	shalt  }
0x3e: {  	_ =	shalt  }
0x3f: {  	_ =	shalt  }
0x40: {  	_ =	shalt  }
0x41: {  	_ =	shalt  }
0x42: {  	_ =	shalt  }
0x43: {  	_ =	shalt  }
0x44: {  	_ =	shalt  }
0x45: {  	_ =	shalt  }
0x46: {  	_ =	shalt  }
0x47: {  	_ =	shalt  }
0x48: {  	_ =	shalt  }
0x49: {  	_ =	shalt  }
0x4a: {  	_ =	shalt  }
0x4b: {  	_ =	shalt  }
0x4c: {  	_ =	shalt  }
0x4d: {  	_ =	shalt  }
0x4e: {  	_ =	shalt  }
0x4f: {  	_ =	shalt  }
0x50: {  	_ =	shalt  }
0x51: {  	_ =	shalt  }
0x52: {  	_ =	shalt  }
0x53: {  	_ =	shalt  }
0x54: {  	_ =	shalt  }
0x55: {  	_ =	shalt  }
0x56: {  	_ =	shalt  }
0x57: {  	_ =	shalt  }
0x58: {  	_ =	shalt  }
0x59: {  	_ =	shalt  }
0x5a: {  	_ =	shalt  }
0x5b: {  	_ =	shalt  }
0x5c: {  	_ =	shalt  }
0x5d: {  	_ =	shalt  }
0x5e: {  	_ =	shalt  }
0x5f: {  	_ =	shalt  }
0x60: {  	_ =	shalt  }
0x61: {  	_ =	shalt  }
0x62: {  	_ =	shalt  }
0x63: {  	_ =	shalt  }
0x64: {  	_ =	shalt  }
0x65: {  	_ =	shalt  }
0x66: {  	_ =	shalt  }
0x67: {  	_ =	shalt  }
0x68: {  	_ =	shalt  }
0x69: {  	_ =	shalt  }
0x6a: {  	_ =	shalt  }
0x6b: {  	_ =	shalt  }
0x6c: {  	_ =	shalt  }
0x6d: {  	_ =	shalt  }
0x6e: {  	_ =	shalt  }
0x6f: {  	_ =	shalt  }
0x70: {  	_ =	shalt  }
0x71: {  	_ =	shalt  }
0x72: {  	_ =	shalt  }
0x73: {  	_ =	shalt  }
0x74: {  	_ =	shalt  }
0x75: {  	_ =	shalt  }
0x76: {  	_ =	shalt  }
0x77: {  	_ =	shalt  }
0x78: {  	_ =	shalt  }
0x79: {  	_ =	shalt  }
0x7a: {  	_ =	shalt  }
0x7b: {  	_ =	shalt  }
0x7c: {  	_ =	shalt  }
0x7d: {  	_ =	shalt  }
0x7e: {  	_ =	shalt  }
0x7f: {  	_ =	shalt  }
0x80: {  	_ =	shalt  }
0x81: {  	_ =	shalt  }
0x82: {  	_ =	shalt  }
0x83: {  	_ =	shalt  }
0x84: {  	_ =	shalt  }
0x85: {  	_ =	shalt  }
0x86: {  	_ =	shalt  }
0x87: {  	_ =	shalt  }
.Lfunc_end0:
.L_simem_size_0:
called_computation_lowered:
.L_overlay_start_0:
0x88: {  	s2 =	sld [smem:$0x3FD9]  }
0x89: {  	s3 =	sld [smem:$0x3FFE];
	_ =	sdelay $0x1  }
0x8a: {  	s1 =	srdreg.scid  }
0x8b: {  	s0 =	sand.u32 $0x1, s1  }
0x8c: {  	s14 =	sshll.u32 s0, $0xA;
	s2 =	sadd.s32 s3, s2  }
0x8d: {  	s2 =	sadd.s32 s2, s14  }
0x8e: {  	[smem:$0x3FC6] =	sst s2  }
0x8f: {  	_ = 	snop  }
0x90: {  	s2 =	sld [smem:$0x3FD0];
	_ =	sdelay $0x2  }
0x91: {  	s15 =	simm.s32 $0xA;
	s4 =	simm.s32 $0x10  }
0x92: {  	[smem:s4], [sflag:s15] =	dma.local [hbm:s2], $0x1  }
0x93: {  	_ =	swait.eq [sflag:s15], $0x1  }
0x94: {  	[sflag:s15] =	ssyncset.done $0x0  }
0x95: {  	s16 =	sld [smem:$0x10];
	[sflag:s15] =	ssyncadd.s32 $0xFFFFFFFF  }
0x96: {  	s17 =	sld [smem:$0x11];
	(tm) =	ssettm $0x1  }
0x97: {  	s18 =	sld [smem:$0x3FFB];
	_ =	sdelay $0x3  }
0x98: {  	_ =	strace s18  }
0x99: {  	s4 =	sld [smem:$0x3FFC];
	_ =	sdelay $0x3  }
0x9a: {  	_ =	strace s4  }
0x9b: {  	s4 =	sld [smem:$0x3FFD];
	_ =	sdelay $0x3  }
0x9c: {  	_ =	strace s4  }
0x9d: {  	_ =	strace $0x8FFFFFFF  }
0x9e: {  	s19 =	sld [smem:$0x3FDB];
	_ =	sdelay $0x1  }
0x9f: {  	s5 =	simm.s32 $_scs_section_size  }
0xa0: {  	s6 =	simm.s32 $_size__tile_overlayer_lowered;
	s7 =	simm.s32 $_tile_overlayer_lowered  }
0xa1: {  	s22 =	simm.s32 $0x1BFF;
	s21 =	sshll.u32 s7, $0x1;
	s4 =	sadd.s32 s5, s19  }
0xa2: {  	s8 =	simm.s32 $0x0;
	s20 =	sshll.u32 s6, $0x1;
	s6 =	sadd.s32 s21, s4  }
0xa3: {  	[timem:s8], [sflag:s22] =	dma.local [hbm:s6], s20  }
0xa4: {  	_ =	swait.ge [sflag:s22], s20  }
0xa5: {  	s5 =	ssub.s32 $0x0, s20;
	[sflag:s22] =	ssyncset.done $0x0  }
0xa6: {  	[sflag:s22] =	ssyncadd.s32 s5;
	_ =	sdelay $0x1  }
0xa7: {  	s23 =	simm.s32 $0x1B8B  }
0xa8: {  	_ =	swait.ge [sflag:s23], $0x1  }
0xa9: {  	[sflag:s23] =	ssyncset.done $0x0  }
0xaa: {  	s25 =	simm.s32 $0x1B8E;
	s24 =	sld [smem:$0x3FFE];
	[sflag:s23] =	ssyncadd.s32 $0xFFFFFFFF  }
0xab: {  	s26 =	simm.s32 $execute0_lowered;
	[smem:$0x3FD2] =	sst s25  }
0xac: {  	s6 =	sshll.u32 s26, $0x1;
	_ =	strace $0x80000046;
	[dreg:$0x1] =	wrdreg $0xFFFFFFFF  }
0xad: {  	s28 =	simm.s32 $_size_execute0_lowered;
	s4 =	sadd.s32 s4, s6;
	[dreg:$0x0] =	wrdreg $0x0  }
0xae: {  	s6 =	sshll.u32 s28, $0x1;
	[dreg:$0x2] =	wrdreg s4  }
0xaf: {  	[dreg:$0x3] =	wrdreg s6  }
0xb0: {  	[dreg:$0x4] =	wrdreg $0xC0  }
0xb1: {  	_ =	task [dreg:s8], $0x5FFFF  }
0xb2: {  	[dreg:$0x1] =	wrdreg $0xFFFFFFFF  }
0xb3: {  	[dreg:$0x0] =	wrdreg $0x60  }
0xb4: {  	[dreg:$0x2] =	wrdreg s24  }
0xb5: {  	[dreg:$0x3] =	wrdreg s16  }
0xb6: {  	[dreg:$0x4] =	wrdreg s17  }
0xb7: {  	[dreg:$0x5] =	wrdreg $0x9  }
0xb8: {  	_ =	task.clear_ibuf [dreg:s8], $0x6FFFF;
	_ =	strace $0x90000046  }
0xb9: {  	s29 =	simm.s32 $0x9;
	_ =	strace $0x80000048  }
0xba: {  	_ =	swait.ge [sflag:s29], $0x1  }
0xbb: {  	[sflag:s29] =	ssyncadd.s32 $0xFFFFFFFF  }
0xbc: {  	_ =	strace $0x90000048  }
0xbd: {  	_ =	sfence  }
0xbe: {  	s30 =	sld [smem:$0x0];
	_ =	sdelay $0x2  }
0xbf: {  	s31 =	sshll.u32 s1, $0xD;
	s1 =	sshrl.u32 s1, $0x2  }
0xc0: {  	s3 =	sand.u32 $0x4000, s31;
	s1 =	sadd.s32 s1, s30  }
0xc1: {  	s0 =	sor.u32 s3, s0;
	s1 =	sshll.u32 s1, $0x11  }
0xc2: {  	s0 =	sor.u32 s1, s0  }
0xc3: {  	s0 =	sadd.s32 $0x8F2B, s0  }
0xc4: {  	[sflag:s0] =	ssyncadd.remote.s32 $0x1  }
0xc5: {  	_ =	sfence.sel $0xFFFF  }
0xc6: {  	[dreg:$0x0] =	wrdreg $0xFFFFFFFF;
	(pc) =	sbr.abs _section_cstart, $3  }
0xc7: {  	[dreg:$0x1] =	wrdreg $0xFFFFFFFF  }
0xc8: {  	_ =	task.clear_ibuf [dreg:s8], $0x2FFFF;
	_ =	strace $0x9FFFFFFF  }
0xc9: {  	(tm) =	ssettm $0x7FFFFFFF  }
tec
execute0_lowered:
.L_overlay_start_1:
0x0: {  	(tag) =	ssettag $0x1  }
0x1: {  	s3 =	rddreg [dreg:$0x0]  }
0x2: {  	s4 =	rddreg [dreg:$0x1]  }
0x3: {  	s5 =	rddreg [dreg:$0x2];
	s2 =	srdreg.scid  }
0x4: {  	s0 =	rddreg [dreg:$0x3];
	s1 =	stileid.u32;
	s9 =	simm.s32 $0x1  }
0x5: {  	s10 =	simm.s32 $0x2000;
	s11 =	simm.s32 $0x2400;
	s12 =	simm.s32 $0x0  }
0x6: {  	s6 =	sand.u32 $0x1, s2;
	s2 =	simm.s32 $0x0;
	s7 =	sshll.u32 s1, $0xA  }
0x7: {  	s8 =	sshll.u32 s6, $0x9;
	[smem:$0x7FF] =	sst s2;
	s6 =	ssub.s32 $0x2, s6  }
0x8: {  	s7 =	sor.u32 s8, s7;
	_ =	strace $0x80000047;
	s31 =	sshrl.u32 s6, $0x1  }
0x9: {  	s8 =	simm.s32 $0x20000;
	s3 =	sadd.s32 s7, s3;
	s7 =	sshrl.u32 s7, $0x2  }
0xa: {  	s6 =	ssub.s32 s6, s31;
	s3 =	sadd.s32 $0xE00, s3;
	s4 =	sadd.s32 s4, s7  }
0xb: {  	v0 =	vimm.s32 $0x0;
	s5 =	sadd.s32 s5, s7;
	s6 =	smax.u32 s6, $0x1;
	s7 =	simm.s32 $0x1000  }
.LBB2_1:
0xc: {  	[tilespmem:s2], [sflag:$0x1] =	stream.strided.gather [hbm4b:s3+s7], $0x2000, s8, s7, $0x38;
	[tilespmem:$0x2800] =	vst v63  }
0xd: {  	s14 =	sand.u32 $0x60, s2;
	s13 =	simm.s32 $0x0;
	_ =	swait.ge [sflag:s9], $0x2000  }
0xe: {  	s15 =	sand.u32 $0x3FFFFC00, s13;
	s13 =	sor.u32 $0x10, s14;
	[sflag:s9] =	ssyncset.done $0x0  }
0xf: {  	s17 =	sor.u32 s13, s15;
	[sflag:s9] =	ssyncadd.s32 $0xFFFFE000  }
0x10: {  	v2 =	vld [tilespmem:s17+$0x0]  }
0x11: {  	s16 =	sor.u32 s14, s15;
	v3 =	vld [tilespmem:s17+$0x80]  }
0x12: {  	v10 =	vimm.s32 $0x0;
	v26 =	vimm.s32 $0x0;
	v4 =	vld [tilespmem:s16+$0x0]  }
0x13: {  	v27 =	vimm.s32 $0x0;
	v29 =	vimm.s32 $0x0;
	v30 =	vimm.s32 $0x0;
	v5 =	vld [tilespmem:s16+$0x80]  }
0x14: {  	v31 =	vimm.s32 $0x0;
	v32 =	vimm.s32 $0x0;
	v33 =	vimm.s32 $0x0  }
0x15: {  	v34 =	vimm.s32 $0x0;
	v12 =	vimm.s32 $0x0;
	v35 =	vimm.s32 $0x0  }
0x16: {  	v37 =	vimm.s32 $0x0;
	v38 =	vimm.s32 $0x0;
	v39 =	vimm.s32 $0x0;
	v6 =	vld [tilespmem:s17+$0x100]  }
0x17: {  	v41 =	vimm.s32 $0x0;
	v13 =	vimm.s32 $0x0;
	v42 =	vimm.s32 $0x0  }
0x18: {  	vm0 =	vgt.f32 v3, v2;
	vm1 =	vgt.f32 v3, $-3.000000010e+38;
	vm3 =	vgt.f32 v5, v4  }
0x19: {  	v9 =	vld [tilespmem:s17+$0x180];
	vm2 =	vmneg vm0;
	v8 =	vnsel vm1, $0xFF61B1E6, v3;
	v1 =	vsel vm0, $0x1, v0  }
0x1a: {  	v10 =	vsel vm3, $0xFFFFFFFF, v10;
	vm0 =	vgt.f32 v5, $-3.000000010e+38;
	v8 =	vsel vm2, v8, v2  }
0x1b: {  	vm3 =	vmneg vm3;
	v2 =	vsel vm2, v2, v3;
	vm4 =	vgt.f32 v6, v8  }
0x1c: {  	v7 =	vld [tilespmem:s16+$0x100];
	v3 =	vnsel vm0, $0xFF61B1E6, v5;
	vm11 =	vgt.f32 v6, v2;
	v8 =	vsel vm4, v6, v8  }
0x1d: {  	v3 =	vsel vm3, v3, v4;
	v4 =	vsel vm3, v4, v5;
	v5 =	vsel vm11, v2, v8  }
0x1e: {  	[tilespmem:$0x1FE40] =	vst v10;
	v2 =	vsel vm11, v6, v2;
	v6 =	vimm.s32 $0x0;
	vm6 =	vgt.f32 v9, v5  }
0x1f: {  	v43 =	vimm.s32 $0x0;
	v45 =	vimm.s32 $0x0;
	v10 =	vld [tilespmem:s17+$0x200];
	v6 =	vsel vm6, $0xFFFFFFFF, v6  }
0x20: {  	v47 =	vimm.s32 $0x0;
	v11 =	vld [tilespmem:s16+$0x180];
	vm5 =	vgt.f32 v9, v2;
	[tilespmem:$0x1FE60] =	vst v6;
	v6 =	vimm.s32 $0x0  }
0x21: {  	v48 =	vimm.s32 $0x0;
	vm15 =	vgt.f32 v7, v3;
	v6 =	vsel vm5, $0xFFFFFFFF, v6  }
0x22: {  	vm12 =	vgt.f32 v7, v4;
	v3 =	vsel vm15, v7, v3;
	v5 =	vsel vm6, v9, v5;
	[tilespmem:$0x1FE90] =	vst v6  }
0x23: {  	vm0 =	vmand vm3, vm0;
	v3 =	vsel vm12, v4, v3;
	v5 =	vsel vm5, v2, v5;
	v6 =	vld [tilespmem:s17+$0x280]  }
0x24: {  	v4 =	vsel vm12, v7, v4;
	v2 =	vsel vm5, v9, v2;
	vm5 =	vgt.f32 v10, v5  }
0x25: {  	v7 =	vimm.s32 $0x0;
	vm3 =	vgt.f32 v10, v2;
	v9 =	vsel vm5, $0xFFFFFFFF, v26  }
0x26: {  	vm6 =	vgt.f32 v11, v4;
	v5 =	vsel vm5, v10, v5;
	v25 =	vld [tilespmem:s16+$0x200];
	[tilespmem:$0x1FEA0] =	vst v9;
	v9 =	vsel vm3, $0xFFFFFFFF, v27  }
0x27: {  	v49 =	vimm.s32 $0x0;
	v7 =	vsel vm6, $0xFFFFFFFF, v7;
	v5 =	vsel vm3, v2, v5;
	[tilespmem:$0x1FEC0] =	vst v9  }
0x28: {  	v50 =	vimm.s32 $0x0;
	v9 =	vld [tilespmem:s17+$0x300];
	[tilespmem:$0x1FE80] =	vst v7;
	v7 =	vimm.s32 $0x0;
	vm5 =	vgt.f32 v6, v5  }
0x29: {  	v51 =	vimm.s32 $0x0;
	v2 =	vsel vm3, v10, v2;
	v7 =	vsel vm5, $0xFFFFFFFF, v7  }
0x2a: {  	vm8 =	vgt.f32 v11, v3;
	vm3 =	vgt.f32 v6, v2;
	[tilespmem:$0x1FEE0] =	vst v7;
	v7 =	vimm.s32 $0x0  }
0x2b: {  	v3 =	vsel vm8, v11, v3;
	v5 =	vsel vm5, v6, v5;
	v7 =	vsel vm3, $0xFFFFFFFF, v7  }
0x2c: {  	v3 =	vsel vm6, v4, v3;
	v4 =	vsel vm6, v11, v4;
	v5 =	vsel vm3, v2, v5;
	[tilespmem:$0x1FEF0] =	vst v7  }
0x2d: {  	v2 =	vsel vm3, v6, v2;
	v6 =	vimm.s32 $0x0;
	vm3 =	vgt.f32 v9, v5;
	v7 =	vld [tilespmem:s17+$0x380]  }
0x2e: {  	s25 =	sadd.s32 $0x1000, s15;
	vm14 =	vgt.f32 v25, v3;
	vm5 =	vgt.f32 v25, v4;
	v6 =	vsel vm3, $0xFFFFFFFF, v6;
	v28 =	vld [tilespmem:s16+$0x280]  }
0x2f: {  	s18 =	sor.u32 s13, s25;
	v11 =	vsel vm5, $0xFFFFFFFF, v29;
	v5 =	vsel vm3, v9, v5;
	vm3 =	vgt.f32 v9, v2;
	[tilespmem:$0x1FF10] =	vst v6  }
0x30: {  	vm1 =	vmand vm2, vm1;
	v3 =	vsel vm14, v25, v3;
	v6 =	vld [tilespmem:s18+$0x0];
	[tilespmem:$0x1FEB0] =	vst v11;
	v11 =	vsel vm3, $0xFFFFFFFF, v30  }
0x31: {  	v3 =	vsel vm5, v4, v3;
	v5 =	vsel vm3, v2, v5;
	[tilespmem:$0x1FF30] =	vst v11;
	v11 =	vsel vm1, $0xFFFFFFFF, v31  }
0x32: {  	v4 =	vsel vm5, v25, v4;
	v2 =	vsel vm3, v9, v2;
	[tilespmem:$0x1FE20] =	vst v11;
	vm1 =	vgt.f32 v7, v5  }
0x33: {  	s26 =	sadd.s32 $0x1080, s15;
	v11 =	vld [tilespmem:s16+$0x300];
	vm2 =	vgt.f32 v28, v3;
	vm9 =	vgt.f32 v28, v4;
	v8 =	vsel vm1, $0xFFFFFFFF, v32  }
0x34: {  	s19 =	sor.u32 s13, s26;
	v5 =	vsel vm1, v7, v5;
	v9 =	vsel vm2, $0xFFFFFFFF, v33;
	vm1 =	vgt.f32 v7, v2;
	[tilespmem:$0x1FF40] =	vst v8  }
0x35: {  	v3 =	vsel vm2, v28, v3;
	v5 =	vsel vm1, v2, v5;
	v2 =	vsel vm1, v7, v2;
	v8 =	vld [tilespmem:s19+$0x0]  }
0x36: {  	v7 =	vimm.s32 $0x0;
	[tilespmem:$0x1FED0] =	vst v9;
	v9 =	vsel vm1, $0xFFFFFFFF, v34;
	vm1 =	vgt.f32 v6, v5  }
0x37: {  	s28 =	sadd.s32 $0x1100, s15;
	v3 =	vsel vm9, v4, v3;
	v4 =	vsel vm9, v28, v4;
	[tilespmem:$0x1FF60] =	vst v9;
	v7 =	vsel vm1, $0xFFFFFFFF, v7  }
0x38: {  	s29 =	sor.u32 s13, s28;
	v5 =	vsel vm1, v6, v5;
	vm2 =	vgt.f32 v11, v3;
	vm1 =	vgt.f32 v6, v2;
	v9 =	vld [tilespmem:s16+$0x380];
	[tilespmem:$0x1FF70] =	vst v7  }
0x39: {  	v12 =	vsel vm2, $0xFFFFFFFF, v12;
	v5 =	vsel vm1, v2, v5;
	v2 =	vsel vm1, v6, v2;
	v7 =	vld [tilespmem:s29+$0x0]  }
0x3a: {  	v6 =	vimm.s32 $0x0;
	[tilespmem:$0x1FF00] =	vst v12;
	v12 =	vsel vm1, $0xFFFFFFFF, v35;
	vm1 =	vgt.f32 v8, v5  }
0x3b: {  	s30 =	sadd.s32 $0x1180, s15;
	vm10 =	vgt.f32 v11, v4;
	v3 =	vsel vm2, v11, v3;
	[tilespmem:$0x1FF90] =	vst v12;
	v6 =	vsel vm1, $0xFFFFFFFF, v6  }
0x3c: {  	s20 =	sor.u32 s13, s30;
	v3 =	vsel vm10, v4, v3;
	vm13 =	vgt.f32 v8, v2;
	v5 =	vsel vm1, v8, v5;
	[tilespmem:$0x1FFB0] =	vst v6  }
0x3d: {  	s17 =	sor.u32 s14, s25;
	v4 =	vsel vm10, v11, v4;
	v5 =	vsel vm13, v2, v5;
	vm1 =	vgt.f32 v9, v3;
	v6 =	vld [tilespmem:s20+$0x0]  }
0x3e: {  	v36 =	vld [tilespmem:s17+$0x0];
	v11 =	vsel vm1, $0xFFFFFFFF, v37;
	v3 =	vsel vm1, v9, v3;
	vm1 =	vgt.f32 v7, v5  }
0x3f: {  	s31 =	sadd.s32 $0x1200, s15;
	v40 =	vsel vm0, $0x1, v0;
	v2 =	vsel vm13, v8, v2;
	[tilespmem:$0x1FF20] =	vst v11;
	v8 =	vsel vm1, $0xFFFFFFFF, v38  }
0x40: {  	s21 =	sor.u32 s13, s31;
	vm7 =	vgt.f32 v9, v4;
	v5 =	vsel vm1, v7, v5;
	vm1 =	vgt.f32 v7, v2;
	[tilespmem:$0x1FFD0] =	vst v8  }
0x41: {  	v3 =	vsel vm7, v4, v3;
	v4 =	vsel vm7, v9, v4;
	v11 =	vsel vm1, $0xFFFFFFFF, v39;
	v8 =	vld [tilespmem:s21+$0x0]  }
0x42: {  	s18 =	sor.u32 s14, s26;
	v5 =	vsel vm1, v2, v5;
	v2 =	vsel vm1, v7, v2;
	v7 =	vimm.s32 $0x0;
	[tilespmem:$0x1FFA0] =	vst v11  }
0x43: {  	v12 =	vld [tilespmem:s18+$0x0];
	vm0 =	vgt.f32 v6, v5;
	vm1 =	vgt.f32 v36, v3;
	vm6 =	vgt.f32 v36, v4  }
0x44: {  	s22 =	sadd.s32 $0x1280, s15;
	v7 =	vsel vm0, $0xFFFFFFFF, v7;
	v5 =	vsel vm0, v6, v5;
	vm0 =	vgt.f32 v6, v2  }
0x45: {  	s23 =	sor.u32 s13, s22;
	v9 =	vsel vm1, $0xFFFFFFFF, v41;
	v3 =	vsel vm1, v36, v3;
	[tilespmem:$0x1FFF0] =	vst v7;
	v5 =	vsel vm0, v2, v5  }
0x46: {  	s19 =	sor.u32 s14, s28;
	v13 =	vsel vm0, $0xFFFFFFFF, v13;
	v2 =	vsel vm0, v6, v2;
	v7 =	vld [tilespmem:s23+$0x0];
	[tilespmem:$0x1FF50] =	vst v9;
	vm0 =	vgt.f32 v8, v5  }
0x47: {  	s24 =	sadd.s32 $0x1300, s15;
	v3 =	vsel vm6, v4, v3;
	v4 =	vsel vm6, v36, v4;
	v9 =	vld [tilespmem:s19+$0x0];
	[tilespmem:$0x1FD90] =	vst v13;
	v13 =	vsel vm0, $0xFFFFFFFF, v42  }
0x48: {  	s25 =	sor.u32 s13, s24;
	v5 =	vsel vm0, v8, v5;
	vm1 =	vgt.f32 v12, v3;
	vm0 =	vgt.f32 v8, v2  }
0x49: {  	vm2 =	vgt.f32 v12, v4;
	v6 =	vld [tilespmem:s25+$0x0];
	[tilespmem:$0x1FDA0] =	vst v13;
	v13 =	vsel vm1, $0xFFFFFFFF, v43;
	v3 =	vsel vm1, v12, v3  }
0x4a: {  	v5 =	vsel vm0, v2, v5;
	v2 =	vsel vm0, v8, v2;
	[tilespmem:$0x1FF80] =	vst v13;
	v13 =	vsel vm0, $0xFFFFFFFF, v45  }
0x4b: {  	s16 =	sor.u32 s14, s30;
	v3 =	vsel vm2, v4, v3;
	v4 =	vsel vm2, v12, v4;
	vm1 =	vgt.f32 v7, v5  }
0x4c: {  	v44 =	vld [tilespmem:s16+$0x0];
	[tilespmem:$0x1FDB0] =	vst v13;
	v13 =	vsel vm1, $0xFFFFFFFF, v47;
	v5 =	vsel vm1, v7, v5;
	vm1 =	vgt.f32 v7, v2  }
0x4d: {  	s15 =	sadd.s32 $0x1380, s15;
	vm0 =	vgt.f32 v9, v3;
	vm5 =	vgt.f32 v9, v4;
	v5 =	vsel vm1, v2, v5  }
0x4e: {  	s26 =	sor.u32 s13, s15;
	v52 =	vld [tilespmem:$0x1FE20];
	v12 =	vsel vm0, $0xFFFFFFFF, v48;
	v3 =	vsel vm0, v9, v3;
	v2 =	vsel vm1, v7, v2  }
0x4f: {  	v46 =	vld [tilespmem:s26+$0x0];
	v7 =	vimm.s32 $0x0;
	[tilespmem:$0x1FFC0] =	vst v12;
	v12 =	vsel vm1, $0xFFFFFFFF, v49;
	vm1 =	vgt.f32 v6, v5  }
0x50: {  	vm3 =	vgt.f32 v6, v2;
	v3 =	vsel vm5, v4, v3;
	v4 =	vsel vm5, v9, v4  }
0x51: {  	[tilespmem:$0x1FDC0] =	vst v13;
	v7 =	vsel vm1, $0xFFFFFFFF, v7;
	v5 =	vsel vm1, v6, v5;
	vm0 =	vgt.f32 v44, v3  }
0x52: {  	[tilespmem:$0x1FDD0] =	vst v12;
	v5 =	vsel vm3, v2, v5;
	v2 =	vsel vm3, v6, v2;
	v6 =	vimm.s32 $0x0  }
0x53: {  	v54 =	vld [tilespmem:$0x1FE40];
	s28 =	sor.u32 s14, s31;
	v9 =	vsel vm3, $0xFFFFFFFF, v50;
	[tilespmem:$0x1FDE0] =	vst v7;
	v3 =	vsel vm0, v44, v3;
	v6 =	vsel vm0, $0xFFFFFFFF, v6  }
0x54: {  	v7 =	vld [tilespmem:s28+$0x0];
	vm3 =	vgt.f32 v46, v5;
	vm0 =	vnez.u8 v52;
	[tilespmem:$0x1FFE0] =	vst v6;
	v6 =	vimm.s32 $0x0  }
0x55: {  	v5 =	vsel vm3, v46, v5;
	v6 =	vsel vm3, $0xFFFFFFFF, v6;
	vm3 =	vgt.f32 v46, v2  }
0x56: {  	v53 =	vimm.s32 $0x0;
	[tilespmem:$0x1FDF0] =	vst v9;
	v8 =	vsel vm0, $0x1, v0;
	v5 =	vsel vm3, v2, v5  }
0x57: {  	s29 =	sor.u32 s14, s22;
	[tilespmem:$0x1FE00] =	vst v6;
	v9 =	vsel vm3, $0xFFFFFFFF, v51;
	v2 =	vsel vm3, v46, v2;
	vm3 =	vgt.f32 v44, v4  }
0x58: {  	vm0 =	vnez.u8 v54;
	v8 =	vsel vm4, $0x2, v8;
	v6 =	vld [tilespmem:s29+$0x0];
	v3 =	vsel vm3, v4, v3  }
0x59: {  	v2 =	vsub.f32 v5, v2;
	v5 =	vsel vm15, $0x2, v40;
	vm15 =	vgt.f32 v7, v3  }
0x5a: {  	s30 =	sor.u32 s14, s24;
	[tilespmem:$0x1FE10] =	vst v9;
	v4 =	vsel vm3, v44, v4;
	v10 =	vsel vm15, $0xFFFFFFFF, v53;
	v3 =	vsel vm15, v7, v3  }
0x5b: {  	v9 =	vld [tilespmem:s30+$0x0];
	v2 =	vmul.f32 $1.442695020e+00, v2;
	vm15 =	vgt.f32 v7, v4;
	[tilespmem:$0x1FE30] =	vst v10;
	v10 =	vsel vm0, $0x1, v0  }
0x5c: {  	v3 =	vsel vm15, v4, v3;
	v4 =	vsel vm15, v7, v4;
	v7 =	vimm.s32 $0x0  }
0x5d: {  	v57 =	vld [tilespmem:$0x1FE80];
	s15 =	sor.u32 s14, s15;
	(erf) = vpow2.f32 v2;
	v5 =	vsel vm12, v10, v5;
	vm4 =	vgt.f32 v6, v3  }
0x5e: {  	v2 =	vld [tilespmem:s15+$0x0];
	v7 =	vsel vm4, $0xFFFFFFFF, v7;
	v3 =	vsel vm4, v6, v3;
	vm4 =	vgt.f32 v6, v4  }
0x5f: {  	v56 =	vimm.s32 $0x0;
	v5 =	vsel vm8, $0x3, v5;
	v3 =	vsel vm4, v4, v3  }
0x60: {  	[tilespmem:$0x1FE50] =	vst v7;
	v7 =	vsel vm11, v1, v8;
	v4 =	vsel vm4, v6, v4;
	vm8 =	vgt.f32 v9, v3  }
0x61: {  	v8 =	vsel vm8, $0xFFFFFFFF, v56;
	v3 =	vsel vm8, v9, v3;
	vm8 =	vgt.f32 v9, v4  }
0x62: {  	vm1 =	vnez.u8 v57;
	v6 =	vsel vm12, $0x2, v10;
	v3 =	vsel vm8, v4, v3  }
0x63: {  	v1 =	vsel vm11, $0x2, v1;
	v4 =	vsel vm8, v9, v4;
	vm11 =	vgt.f32 v2, v3  }
0x64: {  	v5 =	vsel vm1, v6, v5;
	vm12 =	vgt.f32 v2, v4;
	v3 =	vsel vm11, v2, v3  }
0x65: {  	v2 =	vsel vm12, v2, v4;
	v3 =	vsel vm12, v4, v3;
	v4 =	vsel vm1, $0x3, v6;
	v6 =	vld [tilespmem:$0x1FEB0];
	_ =	sdelay $0x1  }
0x66: {  	v55 =	vld [tilespmem:$0x1FE60]  }
0x67: {  	v58 =	vld [tilespmem:$0x1FE90]  }
0x68: {  	v59 =	vld [tilespmem:$0x1FEA0]  }
0x69: {  	vm1 =	vnez.u8 v6;
	v6 =	vld [tilespmem:$0x1FEC0];
	_ =	sdelay $0x1  }
0x6a: {  	v60 =	vld [tilespmem:$0x1FED0];
	vm0 =	vnez.u8 v55  }
0x6b: {  	v7 =	vsel vm0, $0x3, v7;
	vm0 =	vnez.u8 v58;
	v5 =	vsel vm14, $0x4, v5  }
0x6c: {  	v7 =	vsel vm0, v1, v7;
	vm14 =	vnez.u8 v59;
	v1 =	vsel vm0, $0x3, v1  }
0x6d: {  	v7 =	vsel vm14, $0x4, v7;
	v2 =	vsub.f32 v3, v2;
	v3 =	vpop (erf);
	vm0 =	vnez.u8 v6  }
0x6e: {  	v6 =	vsel vm0, v1, v7;
	v7 =	vadd.f32 $1.000000000e+00, v3  }
0x6f: {  	vm14 =	vnez.u8 v60;
	v2 =	vmul.f32 $1.442695020e+00, v2;
	v5 =	vsel vm1, v4, v5  }
0x70: {  	v4 =	vsel vm1, $0x4, v4;
	v5 =	vsel vm14, $0x5, v5;
	(erf) = vrcp.f32 v7  }
0x71: {  	v5 =	vsel vm9, v4, v5;
	(erf) = vpow2.f32 v2;
	v2 =	vsel vm9, $0x5, v4;
	v4 =	vld [tilespmem:$0x1FF00];
	_ =	sdelay $0x3  }
0x72: {  	v61 =	vld [tilespmem:$0x1FEE0]  }
0x73: {  	v7 =	vld [tilespmem:$0x1FEF0];
	vm1 =	vnez.u8 v4  }
0x74: {  	v4 =	vsel vm1, $0x6, v5;
	v5 =	vld [tilespmem:$0x1FF10];
	_ =	sdelay $0x2  }
0x75: {  	vm14 =	vnez.u8 v61  }
0x76: {  	v1 =	vsel vm0, $0x4, v1;
	v6 =	vsel vm14, $0x5, v6;
	vm0 =	vnez.u8 v7  }
0x77: {  	v6 =	vsel vm0, v1, v6;
	vm9 =	vnez.u8 v5  }
0x78: {  	v5 =	vsel vm9, $0x6, v6;
	v6 =	vld [tilespmem:$0x1FF20];
	_ =	sdelay $0x4  }
0x79: {  	v1 =	vsel vm0, $0x5, v1;
	vm0 =	vnez.u8 v6;
	v6 =	vld [tilespmem:$0x1FF30];
	_ =	sdelay $0x3  }
0x7a: {  	v4 =	vsel vm10, v2, v4  }
0x7b: {  	v4 =	vsel vm0, $0x7, v4;
	vm0 =	vnez.u8 v6;
	v6 =	vld [tilespmem:$0x1FF40];
	_ =	sdelay $0x4  }
0x7c: {  	v5 =	vsel vm0, v1, v5;
	v1 =	vsel vm0, $0x6, v1;
	vm0 =	vnez.u8 v6;
	v6 =	vld [tilespmem:$0x1FF50];
	_ =	sdelay $0x4  }
0x7d: {  	v5 =	vsel vm0, $0x7, v5;
	vm0 =	vnez.u8 v6;
	v6 =	vld [tilespmem:$0x1FF60];
	_ =	sdelay $0x2  }
0x7e: {  	v2 =	vsel vm10, $0x6, v2  }
0x7f: {  	v4 =	vsel vm7, v2, v4  }
0x80: {  	v4 =	vsel vm0, $0x8, v4;
	vm0 =	vnez.u8 v6;
	v6 =	vld [tilespmem:$0x1FF70];
	_ =	sdelay $0x4  }
0x81: {  	v5 =	vsel vm0, v1, v5;
	v1 =	vsel vm0, $0x7, v1;
	vm0 =	vnez.u8 v6;
	v6 =	vld [tilespmem:$0x1FF80];
	_ =	sdelay $0x4  }
0x82: {  	v5 =	vsel vm0, $0x8, v5;
	vm0 =	vnez.u8 v6;
	v6 =	vld [tilespmem:$0x1FF90];
	_ =	sdelay $0x2  }
0x83: {  	v2 =	vsel vm7, $0x7, v2  }
0x84: {  	v4 =	vsel vm6, v2, v4  }
0x85: {  	v4 =	vsel vm0, $0x9, v4;
	vm0 =	vnez.u8 v6  }
0x86: {  	v2 =	vsel vm6, $0x8, v2;
	v5 =	vsel vm0, v1, v5  }
0x87: {  	v6 =	vsel vm0, $0x8, v1;
	v1 =	vsel vm2, v2, v4;
	v4 =	vsel vm2, $0x9, v2;
	v2 =	vld [tilespmem:$0x1FFA0];
	_ =	sdelay $0x4  }
0x88: {  	vm0 =	vnez.u8 v2;
	v2 =	vld [tilespmem:$0x1FFB0];
	_ =	sdelay $0x3  }
0x89: {  	s31 =	simm.s32 $0x0;
	v7 =	vpop (erf)  }
0x8a: {  	s15 =	sand.u32 $0xFFFFFF00, s31;
	v3 =	vmul.f32 v7, v3;
	vm1 =	vnez.u8 v2  }
0x8b: {  	s18 =	sor.u32 s15, s13;
	[tilespmem:$0x1FE70] =	vst v8;
	v2 =	vsel vm1, $0x9, v5;
	v5 =	vld [tilespmem:$0x1FFC0]  }
0x8c: {  	v62 =	vsel vm13, v6, v2;
	v2 =	vsel vm13, $0x9, v6;
	v6 =	vld [tilespmem:$0x1FFD0];
	[tilespmem:s18+$0x2480] =	vst v3  }
0x8d: {  	v3 =	vld [tilespmem:$0x1FFE0];
	_ =	sdelay $0x2  }
0x8e: {  	vm1 =	vnez.u8 v5  }
0x8f: {  	v5 =	vsel vm1, $0xA, v1;
	vm1 =	vnez.u8 v6  }
0x90: {  	v6 =	vsel vm1, $0xA, v62;
	vm1 =	vnez.u8 v3;
	v3 =	vld [tilespmem:$0x1FFF0];
	_ =	sdelay $0x2  }
0x91: {  	v1 =	vpop (erf)  }
0x92: {  	vm14 =	vmmov vm11;
	v63 =	vadd.f32 $1.000000000e+00, v1;
	v5 =	vsel vm5, v4, v5  }
0x93: {  	v6 =	vsel vm0, v2, v6;
	v5 =	vsel vm1, $0xB, v5;
	vm1 =	vnez.u8 v3  }
0x94: {  	s13 =	simm.s32 $0x0;
	s19 =	sor.u32 s14, s15;
	s14 =	simm.s32 $0x0;
	v4 =	vsel vm5, $0xA, v4;
	[tilespmem:s18+$0x2400] =	vst v7;
	(erf) = vrcp.f32 v63;
	v3 =	vsel vm1, $0xB, v6  }
.LBB2_2:
0x95: {  	v6 =	vld [tilespmem:$0x1FE30];
	_ =	sdelay $0x4  }
0x96: {  	v2 =	vsel vm0, $0xA, v2;
	vm0 =	vnez.u8 v6;
	v6 =	vld [tilespmem:$0x1FD90];
	_ =	sdelay $0x3  }
0x97: {  	v5 =	vsel vm3, v4, v5  }
0x98: {  	v5 =	vsel vm0, $0xC, v5;
	vm0 =	vnez.u8 v6;
	v6 =	vld [tilespmem:$0x1FDA0];
	_ =	sdelay $0x4  }
0x99: {  	v3 =	vsel vm0, v2, v3;
	v2 =	vsel vm0, $0xB, v2;
	vm0 =	vnez.u8 v6;
	v6 =	vld [tilespmem:$0x1FE50];
	_ =	sdelay $0x2  }
0x9a: {  	v4 =	vsel vm3, $0xB, v4;
	v60 =	vimm.s32 $0x0;
	v16 =	vimm.s32 $0x0  }
0x9b: {  	v17 =	vimm.s32 $0x0;
	v19 =	vimm.s32 $0x0;
	v20 =	vimm.s32 $0x0  }
0x9c: {  	v22 =	vimm.s32 $0x0;
	v3 =	vsel vm0, $0xC, v3;
	vm0 =	vnez.u8 v6;
	v6 =	vld [tilespmem:$0x1FDB0]  }
0x9d: {  	v7 =	vld [tilespmem:$0x1FDC0];
	v23 =	vimm.s32 $0x0;
	v24 =	vimm.s32 $0x0;
	v25 =	vimm.s32 $0x0  }
0x9e: {  	v8 =	vld [tilespmem:$0x1FE70];
	v27 =	vimm.s32 $0x0;
	v29 =	vimm.s32 $0x0;
	v30 =	vimm.s32 $0x0  }
0x9f: {  	v55 =	vld [tilespmem:$0x1FDD0];
	v33 =	vimm.s32 $0x0;
	v34 =	vimm.s32 $0x0;
	v35 =	vimm.s32 $0x0  }
0xa0: {  	v9 =	vld [tilespmem:$0x1FDE0];
	v37 =	vimm.s32 $0x0;
	v39 =	vimm.s32 $0x0;
	v5 =	vsel vm15, v4, v5  }
0xa1: {  	s13 =	sadd.s32 $0x2, s13;
	v10 =	vld [tilespmem:$0x1FDF0];
	v4 =	vsel vm15, $0xC, v4;
	v5 =	vsel vm0, $0xD, v5;
	vm0 =	vnez.u8 v6  }
0xa2: {  	s14 =	sadd.s32 $0x20, s14;
	s16 =	sshll.u32 s13, $0x7;
	v3 =	vsel vm0, v2, v3;
	v2 =	vsel vm0, $0xC, v2;
	vm0 =	vnez.u8 v7  }
0xa3: {  	v11 =	vld [tilespmem:$0x1FE00];
	s15 =	sand.u32 $0x60, s14;
	s17 =	sand.u32 $0x3FFFFC00, s16;
	v5 =	vsel vm4, v4, v5;
	v3 =	vsel vm0, $0xD, v3;
	vm0 =	vnez.u8 v8  }
0xa4: {  	v40 =	vimm.s32 $0x0;
	s21 =	sor.u32 s15, s17;
	v5 =	vsel vm0, $0xE, v5;
	vm0 =	vnez.u8 v55  }
0xa5: {  	s16 =	sor.u32 $0x10, s15;
	v56 =	vld [tilespmem:s21+$0x0];
	v3 =	vsel vm0, v2, v3;
	v2 =	vsel vm0, $0xD, v2;
	vm0 =	vnez.u8 v9  }
0xa6: {  	v43 =	vimm.s32 $0x0;
	s20 =	sor.u32 s16, s17;
	v57 =	vld [tilespmem:s21+$0x80];
	v3 =	vsel vm0, $0xE, v3;
	vm0 =	vnez.u8 v10  }
0xa7: {  	v45 =	vimm.s32 $0x0;
	v59 =	vpop (erf);
	v4 =	vsel vm4, $0xD, v4;
	v7 =	vld [tilespmem:s20+$0x80];
	v3 =	vsel vm0, v2, v3  }
0xa8: {  	v2 =	vsel vm0, $0xE, v2;
	vm0 =	vnez.u8 v11;
	v11 =	vmul.f32 v59, v1;
	v1 =	vld [tilespmem:$0x1FE10]  }
0xa9: {  	v46 =	vimm.s32 $0x0;
	v49 =	vimm.s32 $0x0;
	v6 =	vld [tilespmem:s20+$0x0];
	v5 =	vsel vm8, v4, v5  }
0xaa: {  	v50 =	vimm.s32 $0x0;
	v58 =	vld [tilespmem:s20+$0x100];
	v4 =	vsel vm8, $0xE, v4;
	v5 =	vsel vm14, $0xF, v5  }
0xab: {  	v52 =	vimm.s32 $0x0;
	v12 =	vld [tilespmem:s21+$0x100];
	[tilespmem:s19+$0x2400] =	vst v59;
	vm3 =	vgt.f32 v57, v56;
	v5 =	vsel vm12, v4, v5  }
0xac: {  	v13 =	vld [tilespmem:s21+$0x180];
	v4 =	vsel vm12, $0xF, v4;
	vm1 =	vgt.f32 v7, $-3.000000010e+38;
	v3 =	vsel vm0, $0xF, v3;
	[tilespmem:s19+$0x2080] =	vst v5  }
0xad: {  	v5 =	vnsel vm1, $0xFF61B1E6, v7;
	[tilespmem:s19+$0x2480] =	vst v11;
	v11 =	vsel vm3, $0xFFFFFFFF, v60;
	vm0 =	vnez.u8 v1  }
0xae: {  	v3 =	vsel vm0, v2, v3;
	v2 =	vsel vm0, $0xF, v2;
	vm0 =	vgt.f32 v7, v6  }
0xaf: {  	v14 =	vld [tilespmem:s20+$0x180];
	vm3 =	vmneg vm3;
	vm2 =	vmneg vm0;
	v1 =	vsel vm0, $0x1, v0  }
0xb0: {  	v61 =	vld [tilespmem:s21+$0x200];
	vm0 =	vgt.f32 v57, $-3.000000010e+38;
	[tilespmem:s18+$0x2080] =	vst v3;
	v5 =	vsel vm2, v5, v6;
	v6 =	vsel vm2, v6, v7  }
0xb1: {  	v3 =	vld [tilespmem:s21+$0x280];
	[tilespmem:s19+$0x2000] =	vst v4;
	v4 =	vnsel vm0, $0xFF61B1E6, v57;
	v7 =	vimm.s32 $0x0;
	vm5 =	vgt.f32 v58, v6  }
0xb2: {  	vm0 =	vmand vm3, vm0;
	vm12 =	vgt.f32 v58, v5;
	v7 =	vsel vm5, $0xFFFFFFFF, v7  }
0xb3: {  	v54 =	vimm.s32 $0x0;
	v44 =	vsel vm0, $0x1, v0;
	v5 =	vsel vm12, v58, v5;
	[tilespmem:$0x1FBF0] =	vst v7  }
0xb4: {  	v7 =	vld [tilespmem:s20+$0x200];
	[tilespmem:s18+$0x2000] =	vst v2;
	v2 =	vsel vm3, v4, v56;
	v4 =	vsel vm3, v56, v57;
	v5 =	vsel vm5, v6, v5  }
0xb5: {  	v6 =	vsel vm5, v58, v6;
	vm4 =	vgt.f32 v12, v2;
	vm6 =	vgt.f32 v14, v5  }
0xb6: {  	vm5 =	vgt.f32 v14, v6;
	vm11 =	vgt.f32 v12, v4;
	v10 =	vsel vm6, $0xFFFFFFFF, v16  }
0xb7: {  	v2 =	vsel vm4, v12, v2;
	v5 =	vsel vm6, v14, v5;
	[tilespmem:$0x1FC00] =	vst v10;
	v10 =	vsel vm5, $0xFFFFFFFF, v17  }
0xb8: {  	v5 =	vsel vm5, v6, v5;
	v2 =	vsel vm11, v4, v2;
	v4 =	vsel vm11, v12, v4  }
0xb9: {  	v18 =	vld [tilespmem:s20+$0x280];
	v6 =	vsel vm5, v14, v6;
	vm13 =	vgt.f32 v13, v2;
	vm6 =	vgt.f32 v13, v4  }
0xba: {  	vm5 =	vgt.f32 v7, v5;
	vm3 =	vgt.f32 v7, v6;
	v2 =	vsel vm13, v13, v2  }
0xbb: {  	v12 =	vsel vm6, $0xFFFFFFFF, v22;
	v14 =	vsel vm5, $0xFFFFFFFF, v19;
	v5 =	vsel vm5, v7, v5  }
0xbc: {  	v2 =	vsel vm6, v4, v2;
	v4 =	vsel vm6, v13, v4;
	[tilespmem:$0x1FC40] =	vst v14;
	v14 =	vsel vm3, $0xFFFFFFFF, v20  }
0xbd: {  	v21 =	vld [tilespmem:s20+$0x300];
	v5 =	vsel vm3, v6, v5;
	v6 =	vsel vm3, v7, v6;
	v7 =	vimm.s32 $0x0  }
0xbe: {  	vm6 =	vgt.f32 v61, v4;
	vm5 =	vgt.f32 v18, v5;
	vm3 =	vgt.f32 v18, v6  }
0xbf: {  	[tilespmem:$0x1FC10] =	vst v12;
	v7 =	vsel vm5, $0xFFFFFFFF, v7;
	v5 =	vsel vm5, v18, v5;
	vm5 =	vgt.f32 v61, v2  }
0xc0: {  	[tilespmem:$0x1FC80] =	vst v7;
	v7 =	vimm.s32 $0x0;
	v12 =	vsel vm5, $0xFFFFFFFF, v23;
	v5 =	vsel vm3, v6, v5  }
0xc1: {  	v2 =	vsel vm5, v61, v2;
	v6 =	vsel vm3, v18, v6;
	v7 =	vsel vm3, $0xFFFFFFFF, v7;
	[tilespmem:$0x1FC30] =	vst v12  }
0xc2: {  	vm5 =	vgt.f32 v21, v5;
	vm3 =	vgt.f32 v21, v6;
	v12 =	vsel vm6, $0xFFFFFFFF, v27;
	[tilespmem:$0x1FC90] =	vst v7;
	v7 =	vld [tilespmem:s20+$0x380]  }
0xc3: {  	s28 =	sadd.s32 $0x1000, s17;
	[tilespmem:$0x1FC20] =	vst v10;
	v2 =	vsel vm6, v4, v2;
	v4 =	vsel vm6, v61, v4;
	v10 =	vsel vm5, $0xFFFFFFFF, v24  }
0xc4: {  	v62 =	vld [tilespmem:s21+$0x300];
	s18 =	sor.u32 s16, s28;
	v5 =	vsel vm5, v21, v5;
	[tilespmem:$0x1FC50] =	vst v12;
	vm5 =	vgt.f32 v3, v2;
	vm6 =	vgt.f32 v3, v4  }
0xc5: {  	v26 =	vld [tilespmem:s18+$0x0];
	[tilespmem:$0x1FCB0] =	vst v10;
	v10 =	vsel vm3, $0xFFFFFFFF, v25;
	v5 =	vsel vm3, v6, v5;
	v12 =	vsel vm5, $0xFFFFFFFF, v29  }
0xc6: {  	v6 =	vsel vm3, v21, v6;
	v2 =	vsel vm5, v3, v2;
	vm5 =	vmand vm2, vm1  }
0xc7: {  	s30 =	sadd.s32 $0x1080, s17;
	v3 =	vsel vm6, v3, v4;
	v2 =	vsel vm6, v4, v2;
	vm3 =	vgt.f32 v7, v5  }
0xc8: {  	s18 =	sor.u32 s16, s30;
	[tilespmem:$0x1FC70] =	vst v12;
	vm7 =	vgt.f32 v7, v6;
	v12 =	vsel vm3, $0xFFFFFFFF, v30;
	v5 =	vsel vm3, v7, v5  }
0xc9: {  	v31 =	vld [tilespmem:s18+$0x0];
	[tilespmem:$0x1FC60] =	vst v14;
	v14 =	vsel vm7, $0xFFFFFFFF, v33;
	vm3 =	vgt.f32 v62, v2;
	v5 =	vsel vm7, v6, v5  }
0xca: {  	v6 =	vsel vm7, v7, v6;
	v7 =	vimm.s32 $0x0;
	vm1 =	vgt.f32 v26, v5  }
0xcb: {  	v63 =	vld [tilespmem:s21+$0x380];
	v2 =	vsel vm3, v62, v2;
	vm2 =	vgt.f32 v26, v6;
	v7 =	vsel vm1, $0xFFFFFFFF, v7  }
0xcc: {  	[tilespmem:$0x1FD00] =	vst v14;
	v5 =	vsel vm1, v26, v5;
	vm1 =	vmmov vm2;
	v14 =	vsel vm2, $0xFFFFFFFF, v34  }
0xcd: {  	s29 =	sor.u32 s15, s28;
	s19 =	sadd.s32 $0x1100, s17;
	[tilespmem:$0x1FD10] =	vst v7;
	v7 =	vimm.s32 $0x0;
	v5 =	vsel vm2, v6, v5;
	vm2 =	vgt.f32 v62, v3  }
0xce: {  	v28 =	vld [tilespmem:s29+$0x0];
	s18 =	sor.u32 s16, s19;
	v6 =	vsel vm1, v26, v6;
	v7 =	vsel vm3, $0xFFFFFFFF, v7;
	vm1 =	vgt.f32 v31, v5  }
0xcf: {  	v2 =	vsel vm2, v3, v2;
	vm9 =	vgt.f32 v31, v6;
	v3 =	vsel vm2, v62, v3;
	[tilespmem:$0x1FCA0] =	vst v7;
	v7 =	vld [tilespmem:s18+$0x0]  }
0xd0: {  	s21 =	sadd.s32 $0x1180, s17;
	[tilespmem:$0x1FCD0] =	vst v10;
	v10 =	vsel vm1, $0xFFFFFFFF, v35;
	v5 =	vsel vm1, v31, v5;
	vm1 =	vgt.f32 v63, v2  }
0xd1: {  	s18 =	sor.u32 s16, s21;
	v8 =	vsel vm1, $0xFFFFFFFF, v37;
	v2 =	vsel vm1, v63, v2;
	vm1 =	vgt.f32 v63, v3  }
0xd2: {  	v16 =	vimm.s32 $0x0;
	v36 =	vld [tilespmem:s18+$0x0];
	v5 =	vsel vm9, v6, v5;
	v2 =	vsel vm1, v3, v2  }
0xd3: {  	s23 =	sadd.s32 $0x1200, s17;
	v6 =	vsel vm9, v31, v6;
	v3 =	vsel vm1, v63, v3;
	vm8 =	vgt.f32 v28, v2  }
0xd4: {  	[tilespmem:$0x1FD30] =	vst v14;
	s18 =	sor.u32 s16, s23;
	v14 =	vsel vm8, $0xFFFFFFFF, v43;
	v2 =	vsel vm8, v28, v2;
	vm7 =	vgt.f32 v7, v5  }
0xd5: {  	s31 =	sor.u32 s15, s30;
	[tilespmem:$0x1FCE0] =	vst v12;
	v41 =	vld [tilespmem:s18+$0x0];
	vm3 =	vgt.f32 v7, v6;
	v12 =	vsel vm7, $0xFFFFFFFF, v39;
	v5 =	vsel vm7, v7, v5  }
0xd6: {  	v32 =	vld [tilespmem:s31+$0x0];
	[tilespmem:$0x1FD60] =	vst v12;
	v12 =	vsel vm3, $0xFFFFFFFF, v40;
	v5 =	vsel vm3, v6, v5;
	v6 =	vsel vm3, v7, v6  }
0xd7: {  	s25 =	sadd.s32 $0x1280, s17;
	v7 =	vimm.s32 $0x0;
	vm7 =	vgt.f32 v36, v5;
	vm3 =	vgt.f32 v36, v6  }
0xd8: {  	s18 =	sor.u32 s16, s25;
	v7 =	vsel vm7, $0xFFFFFFFF, v7;
	v5 =	vsel vm7, v36, v5;
	vm7 =	vgt.f32 v28, v3  }
0xd9: {  	v16 =	vsel vm3, $0xFFFFFFFF, v16;
	[tilespmem:$0x1FD80] =	vst v7;
	v7 =	vld [tilespmem:s18+$0x0];
	v5 =	vsel vm3, v6, v5;
	v2 =	vsel vm7, v3, v2  }
0xda: {  	s20 =	sor.u32 s15, s19;
	v6 =	vsel vm3, v36, v6;
	v3 =	vsel vm7, v28, v3;
	vm3 =	vgt.f32 v41, v5  }
0xdb: {  	v4 =	vld [tilespmem:s20+$0x0];
	[tilespmem:$0x1FD40] =	vst v10;
	vm8 =	vgt.f32 v32, v2;
	vm0 =	vgt.f32 v41, v6;
	vm10 =	vgt.f32 v32, v3  }
0xdc: {  	s28 =	sadd.s32 $0x1300, s17;
	[tilespmem:$0x1FD90] =	vst v16;
	v10 =	vsel vm8, $0xFFFFFFFF, v45;
	v5 =	vsel vm3, v41, v5;
	v2 =	vsel vm8, v32, v2  }
0xdd: {  	s18 =	sor.u32 s16, s28;
	v16 =	vsel vm0, $0xFFFFFFFF, v49;
	[tilespmem:$0x1FD20] =	vst v10;
	v10 =	vsel vm3, $0xFFFFFFFF, v46;
	v5 =	vsel vm0, v6, v5  }
0xde: {  	v47 =	vld [tilespmem:s18+$0x0];
	v6 =	vsel vm0, v41, v6;
	v2 =	vsel vm10, v3, v2;
	vm0 =	vgt.f32 v7, v5  }
0xdf: {  	s22 =	sor.u32 s15, s21;
	[tilespmem:$0x1FFA0] =	vst v12;
	v3 =	vsel vm10, v32, v3;
	vm3 =	vgt.f32 v7, v6;
	v12 =	vsel vm0, $0xFFFFFFFF, v50  }
0xe0: {  	v38 =	vld [tilespmem:s22+$0x0];
	[tilespmem:$0x1FDB0] =	vst v16;
	v5 =	vsel vm0, v7, v5;
	vm0 =	vgt.f32 v4, v2;
	v16 =	vsel vm3, $0xFFFFFFFF, v54  }
0xe1: {  	v13 =	vsel vm0, $0xFFFFFFFF, v52;
	v5 =	vsel vm3, v6, v5;
	v2 =	vsel vm0, v4, v2  }
0xe2: {  	s17 =	sadd.s32 $0x1380, s17;
	v6 =	vsel vm3, v7, v6;
	vm0 =	vgt.f32 v4, v3;
	v7 =	vimm.s32 $0x0  }
0xe3: {  	s30 =	sor.u32 s15, s17;
	s17 =	sor.u32 s16, s17;
	vm8 =	vgt.f32 v47, v5;
	vm3 =	vgt.f32 v47, v6;
	v2 =	vsel vm0, v3, v2  }
0xe4: {  	v51 =	vld [tilespmem:s17+$0x0];
	v3 =	vsel vm0, v4, v3;
	v7 =	vsel vm8, $0xFFFFFFFF, v7;
	v5 =	vsel vm8, v47, v5  }
0xe5: {  	vm8 =	vgt.f32 v38, v2;
	v4 =	vsel vm3, v6, v5;
	v5 =	vimm.s32 $0x0  }
0xe6: {  	v5 =	vsel vm8, $0xFFFFFFFF, v5  }
0xe7: {  	s24 =	sor.u32 s15, s23;
	[tilespmem:$0x1FD70] =	vst v5;
	v5 =	vimm.s32 $0x0  }
0xe8: {  	v42 =	vld [tilespmem:s24+$0x0];
	v2 =	vsel vm8, v38, v2;
	v5 =	vsel vm3, $0xFFFFFFFF, v5  }
0xe9: {  	[tilespmem:$0x1FDF0] =	vst v5;
	v5 =	vsel vm3, v47, v6;
	vm3 =	vgt.f32 v51, v4;
	v6 =	vimm.s32 $0x0  }
0xea: {  	s26 =	sor.u32 s15, s25;
	vm8 =	vgt.f32 v51, v5;
	v6 =	vsel vm3, $0xFFFFFFFF, v6;
	v4 =	vsel vm3, v51, v4  }
0xeb: {  	v15 =	vld [tilespmem:s26+$0x0];
	vm3 =	vgt.f32 v38, v3;
	v4 =	vsel vm8, v5, v4;
	v5 =	vsel vm8, v51, v5  }
0xec: {  	[tilespmem:$0x1FE00] =	vst v6;
	v6 =	vimm.s32 $0x0;
	v2 =	vsel vm3, v3, v2;
	v4 =	vsub.f32 v4, v5  }
0xed: {  	v3 =	vsel vm3, v38, v3;
	v6 =	vsel vm8, $0xFFFFFFFF, v6;
	vm8 =	vgt.f32 v42, v2  }
0xee: {  	vm15 =	vgt.f32 v42, v3;
	v2 =	vsel vm8, v42, v2;
	v4 =	vmul.f32 $1.442695020e+00, v4  }
0xef: {  	v5 =	vsel vm5, $0x1, v0;
	v2 =	vsel vm15, v3, v2  }
0xf0: {  	vm5 =	vgt.f32 v15, v2;
	(erf) = vpow2.f32 v4;
	v4 =	vimm.s32 $0x0  }
0xf1: {  	[tilespmem:$0x1FBE0] =	vst v11;
	v4 =	vsel vm5, $0xFFFFFFFF, v4  }
0xf2: {  	s29 =	sor.u32 s15, s28;
	[tilespmem:$0x1FE50] =	vst v4;
	v4 =	vsel vm12, $0x2, v5;
	v5 =	vld [tilespmem:$0x1FBE0]  }
0xf3: {  	v48 =	vld [tilespmem:s29+$0x0];
	[tilespmem:$0x1FE10] =	vst v6;
	v6 =	vimm.s32 $0x0  }
0xf4: {  	v6 =	vsel vm8, $0xFFFFFFFF, v6  }
0xf5: {  	[tilespmem:$0x1FE30] =	vst v6;
	v6 =	vsel vm15, v42, v3  }
0xf6: {  	[tilespmem:$0x1FDE0] =	vst v7;
	v7 =	vsel vm4, $0x2, v44;
	vm4 =	vgt.f32 v15, v6;
	v2 =	vsel vm5, v15, v2  }
0xf7: {  	v2 =	vsel vm4, v6, v2;
	vm5 =	vnez.u8 v5  }
0xf8: {  	v3 =	vsel vm4, v15, v6;
	v5 =	vsel vm5, $0x1, v0;
	vm5 =	vgt.f32 v48, v2  }
0xf9: {  	v57 =	vld [tilespmem:$0x1FBF0];
	vm8 =	vgt.f32 v48, v3;
	v2 =	vsel vm5, v48, v2  }
0xfa: {  	v6 =	vsel vm8, v48, v3;
	v2 =	vsel vm8, v3, v2;
	v3 =	vld [tilespmem:$0x1FC00];
	_ =	sdelay $0x2  }
0xfb: {  	v55 =	vimm.s32 $0x0  }
0xfc: {  	[tilespmem:$0x1FCC0] =	vst v8;
	v7 =	vsel vm11, v5, v7;
	v8 =	vsel vm5, $0xFFFFFFFF, v55;
	vm5 =	vnez.u8 v57  }
0xfd: {  	v4 =	vsel vm5, v1, v4;
	v7 =	vsel vm13, $0x3, v7;
	vm13 =	vnez.u8 v3  }
0xfe: {  	v3 =	vsel vm13, $0x3, v4;
	v4 =	vsel vm11, $0x2, v5;
	v5 =	vld [tilespmem:$0x1FC10];
	_ =	sdelay $0x4  }
0xff: {  	vm13 =	vnez.u8 v5  }
0x100: {  	v5 =	vsel vm13, v4, v7;
	v7 =	vld [tilespmem:$0x1FC20];
	_ =	sdelay $0x4  }
0x101: {  	v1 =	vsel vm5, $0x2, v1;
	vm5 =	vnez.u8 v7;
	v7 =	vld [tilespmem:$0x1FC30];
	_ =	sdelay $0x1  }
0x102: {  	v53 =	vld [tilespmem:s30+$0x0];
	_ =	sdelay $0x2  }
0x103: {  	vm11 =	vnez.u8 v7;
	v7 =	vld [tilespmem:$0x1FC50];
	_ =	sdelay $0x1  }
0x104: {  	vm14 =	vgt.f32 v53, v2  }
0x105: {  	vm12 =	vgt.f32 v53, v6;
	v2 =	vsel vm14, v53, v2  }
0x106: {  	v56 =	vsel vm12, v53, v6;
	v2 =	vsel vm12, v6, v2;
	v6 =	vld [tilespmem:$0x1FC40]  }
0x107: {  	v4 =	vsel vm13, $0x3, v4;
	vm13 =	vnez.u8 v7;
	v7 =	vld [tilespmem:$0x1FC60]  }
0x108: {  	v58 =	vld [tilespmem:$0x1FC70];
	v2 =	vsub.f32 v2, v56;
	_ =	sdelay $0x1  }
0x109: {  	v2 =	vmul.f32 $1.442695020e+00, v2  }
0x10a: {  	v3 =	vsel vm5, v1, v3;
	v5 =	vsel vm11, $0x4, v5;
	vm11 =	vnez.u8 v6;
	v6 =	vpop (erf)  }
0x10b: {  	v1 =	vsel vm5, $0x3, v1;
	vm5 =	vnez.u8 v7;
	v7 =	vadd.f32 $1.000000000e+00, v6  }
0x10c: {  	v3 =	vsel vm11, $0x4, v3;
	vm11 =	vnez.u8 v58;
	v5 =	vsel vm13, v4, v5  }
0x10d: {  	v4 =	vsel vm13, $0x4, v4;
	v5 =	vsel vm11, $0x5, v5;
	(erf) = vrcp.f32 v7  }
0x10e: {  	v5 =	vsel vm6, v4, v5;
	(erf) = vpow2.f32 v2;
	v2 =	vsel vm6, $0x5, v4;
	v4 =	vld [tilespmem:$0x1FCA0];
	_ =	sdelay $0x4  }
0x10f: {  	vm6 =	vnez.u8 v4  }
0x110: {  	v4 =	vsel vm6, $0x6, v5;
	v5 =	vld [tilespmem:$0x1FCB0];
	_ =	sdelay $0x4  }
0x111: {  	vm6 =	vnez.u8 v5;
	v5 =	vld [tilespmem:$0x1FCC0];
	_ =	sdelay $0x4  }
0x112: {  	v4 =	vsel vm2, v2, v4;
	v2 =	vsel vm2, $0x6, v2;
	vm2 =	vnez.u8 v5;
	v5 =	vld [tilespmem:$0x1FCD0];
	_ =	sdelay $0x3  }
0x113: {  	v59 =	vld [tilespmem:$0x1FC80]  }
0x114: {  	v4 =	vsel vm2, $0x7, v4;
	vm2 =	vnez.u8 v5;
	v5 =	vld [tilespmem:$0x1FCE0]  }
0x115: {  	v7 =	vld [tilespmem:$0x1FC90];
	_ =	sdelay $0x2  }
0x116: {  	[tilespmem:$0x1FCF0] =	vst v14;
	vm11 =	vnez.u8 v59;
	v3 =	vsel vm5, v1, v3  }
0x117: {  	v4 =	vsel vm1, v2, v4;
	v2 =	vsel vm1, $0x7, v2;
	vm1 =	vnez.u8 v5;
	v5 =	vld [tilespmem:$0x1FCF0]  }
0x118: {  	v1 =	vsel vm5, $0x4, v1;
	v3 =	vsel vm11, $0x5, v3;
	vm5 =	vnez.u8 v7  }
0x119: {  	v3 =	vsel vm5, v1, v3  }
0x11a: {  	v1 =	vsel vm5, $0x5, v1;
	v3 =	vsel vm6, $0x6, v3  }
0x11b: {  	v3 =	vsel vm2, v1, v3  }
0x11c: {  	v3 =	vsel vm1, $0x7, v3;
	vm1 =	vnez.u8 v5;
	v5 =	vld [tilespmem:$0x1FD00];
	_ =	sdelay $0x4  }
0x11d: {  	v4 =	vsel vm1, $0x8, v4;
	vm1 =	vnez.u8 v5;
	v5 =	vld [tilespmem:$0x1FD10];
	_ =	sdelay $0x3  }
0x11e: {  	v1 =	vsel vm2, $0x6, v1  }
0x11f: {  	v3 =	vsel vm1, v1, v3;
	v1 =	vsel vm1, $0x7, v1;
	vm1 =	vnez.u8 v5;
	v5 =	vld [tilespmem:$0x1FD20];
	_ =	sdelay $0x4  }
0x120: {  	v4 =	vsel vm7, v2, v4;
	v3 =	vsel vm1, $0x8, v3;
	vm1 =	vnez.u8 v5  }
0x121: {  	v2 =	vsel vm7, $0x8, v2;
	v5 =	vld [tilespmem:$0x1FD30];
	v4 =	vsel vm1, $0x9, v4  }
0x122: {  	v60 =	vsel vm10, v2, v4;
	v4 =	vsel vm10, $0x9, v2;
	v2 =	vld [tilespmem:$0x1FD40];
	_ =	sdelay $0x3  }
0x123: {  	vm1 =	vnez.u8 v5  }
0x124: {  	[tilespmem:$0x1FD50] =	vst v13;
	v3 =	vsel vm1, v1, v3;
	v5 =	vsel vm1, $0x8, v1;
	vm1 =	vnez.u8 v2  }
0x125: {  	v2 =	vsel vm1, $0x9, v3;
	v3 =	vld [tilespmem:$0x1FD50]  }
0x126: {  	v61 =	vsel vm9, v5, v2;
	v2 =	vsel vm9, $0x9, v5;
	v5 =	vld [tilespmem:$0x1FD60];
	_ =	sdelay $0x1  }
0x127: {  	v63 =	vld [tilespmem:$0x1FFA0];
	_ =	sdelay $0x1  }
0x128: {  	vm1 =	vnez.u8 v3  }
0x129: {  	v3 =	vsel vm1, $0xA, v60;
	vm1 =	vnez.u8 v5  }
0x12a: {  	v5 =	vsel vm1, $0xA, v61  }
0x12b: {  	v3 =	vsel vm0, v4, v3;
	v4 =	vsel vm0, $0xA, v4;
	vm0 =	vnez.u8 v63  }
0x12c: {  	[tilespmem:$0x1FE70] =	vst v8;
	v8 =	vsel vm0, v2, v5;
	v5 =	vld [tilespmem:$0x1FD70];
	_ =	sdelay $0x4  }
0x12d: {  	vm1 =	vnez.u8 v5  }
0x12e: {  	v5 =	vsel vm1, $0xB, v3;
	v3 =	vld [tilespmem:$0x1FD80]  }
0x12f: {  	p0 =	slt.u32 s13, $0x1E  }
.Ltmp0:
0x130: {  	s31 =	sshll.u32 s13, $0x5;
	[tilespmem:$0x1FDA0] =	vst v10;
	v7 =	vpop (erf);
	(pc) =	sbr.rel @p0 .LBB2_2-.Ltmp0, $4  }
0x131: {  	s17 =	sand.u32 $0xFFFFFF00, s31;
	[tilespmem:$0x1FDC0] =	vst v12;
	v1 =	vpop (erf)  }
0x132: {  	s18 =	sor.u32 s17, s16;
	[tilespmem:$0x1FDD0] =	vst v16;
	v6 =	vmul.f32 v7, v6;
	v62 =	vadd.f32 $1.000000000e+00, v1  }
0x133: {  	[tilespmem:s18+$0x2400] =	vst v7;
	vm1 =	vnez.u8 v3  }
0x134: {  	s19 =	sor.u32 s15, s17;
	[tilespmem:s18+$0x2480] =	vst v6;
	(erf) = vrcp.f32 v62;
	v3 =	vsel vm1, $0xB, v8  }
0x135: {  	v6 =	vld [tilespmem:$0x1FE30];
	_ =	sdelay $0x1  }
0x136: {  	v56 =	vld [tilespmem:$0x1FE50];
	_ =	sdelay $0x1  }
0x137: {  	v59 =	vld [tilespmem:$0x1FE70]  }
0x138: {  	v5 =	vsel vm3, v4, v5;
	vm11 =	vnez.u8 v6  }
0x139: {  	v53 =	vsel vm3, $0xB, v4;
	v54 =	vld [tilespmem:$0x1FD90];
	v5 =	vsel vm11, $0xC, v5  }
0x13a: {  	v55 =	vld [tilespmem:$0x1FDA0];
	vm5 =	vnez.u8 v56;
	v5 =	vsel vm15, v53, v5  }
0x13b: {  	v57 =	vld [tilespmem:$0x1FDB0];
	v4 =	vsel vm15, $0xC, v53;
	v5 =	vsel vm5, $0xD, v5  }
0x13c: {  	v58 =	vld [tilespmem:$0x1FDC0];
	vm9 =	vnez.u8 v59;
	v5 =	vsel vm4, v4, v5  }
0x13d: {  	v60 =	vld [tilespmem:$0x1FDD0];
	v4 =	vsel vm4, $0xD, v4;
	v5 =	vsel vm9, $0xE, v5  }
0x13e: {  	v2 =	vsel vm0, $0xA, v2;
	v61 =	vld [tilespmem:$0x1FDE0];
	v5 =	vsel vm8, v4, v5  }
0x13f: {  	v7 =	vld [tilespmem:$0x1FDF0];
	vm13 =	vnez.u8 v54;
	v62 =	vpop (erf);
	v4 =	vsel vm8, $0xE, v4;
	v5 =	vsel vm14, $0xF, v5  }
0x140: {  	v3 =	vsel vm13, v2, v3;
	vm15 =	vnez.u8 v55;
	[tilespmem:s19+$0x2400] =	vst v62;
	v5 =	vsel vm12, v4, v5  }
0x141: {  	vm6 =	vnez.u8 v57;
	v2 =	vsel vm13, $0xB, v2;
	v3 =	vsel vm15, $0xC, v3;
	v63 =	vld [tilespmem:$0x1FE00];
	[tilespmem:s19+$0x2080] =	vst v5  }
0x142: {  	vm7 =	vnez.u8 v58;
	v3 =	vsel vm6, v2, v3;
	v5 =	vld [tilespmem:$0x1FE10]  }
0x143: {  	vm10 =	vnez.u8 v60;
	v2 =	vsel vm6, $0xC, v2;
	v3 =	vsel vm7, $0xD, v3  }
0x144: {  	vm11 =	vnez.u8 v61;
	vm13 =	vnez.u8 v7;
	v3 =	vsel vm10, v2, v3  }
0x145: {  	v1 =	vmul.f32 v62, v1;
	v2 =	vsel vm10, $0xD, v2;
	v3 =	vsel vm11, $0xE, v3  }
0x146: {  	v3 =	vsel vm13, v2, v3;
	v2 =	vsel vm13, $0xE, v2;
	vm14 =	vnez.u8 v63  }
0x147: {  	[tilespmem:s19+$0x2480] =	vst v1;
	v1 =	vsel vm12, $0xF, v4;
	v3 =	vsel vm14, $0xF, v3;
	vm15 =	vnez.u8 v5  }
0x148: {  	[tilespmem:s19+$0x2000] =	vst v1;
	v3 =	vsel vm15, v2, v3  }
0x149: {  	v2 =	vsel vm15, $0xF, v2;
	[tilespmem:s18+$0x2080] =	vst v3  }
0x14a: {  	[tilespmem:s18+$0x2000] =	vst v2  }
0x14b: {  	[hbm4b:s4+s2] =	stream.linear.scatter [tilespmem:s10], [sflag:$0x1], $0x400, $0x38;
	[tilespmem:$0x2800] =	vst v63  }
0x14c: {  	s12 =	sadd.s32 $0x1, s12;
	_ =	swait.ge [sflag:s9], $0x400  }
0x14d: {  	p0 =	sne.s32 s12, s6;
	[sflag:s9] =	ssyncset.done $0x0  }
.Ltmp1:
0x14e: {  	[sflag:s9] =	ssyncadd.s32 $0xFFFFFC00;
	(pc) =	sbr.rel @p0 .LBB2_1-.Ltmp1, $4  }
0x14f: {  	[hbm4b:s5+s2] =	stream.linear.scatter [tilespmem:s11], [sflag:$0x1], $0x400, $0x38;
	[tilespmem:$0x2800] =	vst v63  }
0x150: {  	_ =	swait.ge [sflag:s9], $0x400  }
0x151: {  	[sflag:s9] =	ssyncset.done $0x0  }
0x152: {  	[sflag:s9] =	ssyncadd.s32 $0xFFFFFC00  }
0x153: {  	_ =	sfence.sel $0x180000  }
0x154: {  	[bflag:$0x0] =	sbarrier.arrive $0xFFFF  }
0x155: {  	p0 =	sne.s32 s1, $0x0;
	_ =	strace $0x90000047  }
0x156: {  	s0 =	sadd.s32 @!p0 $0x100000, s0;
	[bflag:$0x2] =	sbarrier.arrive $0xFFFF  }
0x157: {  	[sflag:s0] =	ssyncadd.tile.s32 @!p0 $0x1;
	_ =	shalt  }
.Lfunc_end2:
_tile_overlayer_lowered:
.L_overlay_start_2:
0x158: {  	(tag) =	ssettag $0x2  }
0x159: {  	s0 =	rddreg [dreg:$0x0];
	s2 =	stileid.u32  }
0x15a: {  	s1 =	rddreg [dreg:$0x1];
	p0 =	sne.s32 s2, $0x0  }
0x15b: {  	s3 =	rddreg [dreg:$0x2];
	[bflag:$0x3] =	sbarrier.arrive $0xFFFF;
	s2 =	simm.s32 @!p0 $0x1C02  }
0x15c: {  	[timem:s3], [sflag:s2] =	dma.local @!p0 [hbm:s0], s1  }
0x15d: {  	s0 =	simm.s32 @!p0 $0x2  }
0x15e: {  	_ =	swait.ge @!p0 [sflag:s0], s1  }
0x15f: {  	s1 =	ssub.s32 @!p0 $0x0, s1;
	[sflag:s0] =	ssyncset.done @!p0 $0x0  }
0x160: {  	[sflag:s0] =	ssyncadd.s32 @!p0 s1  }
0x161: {  	[bflag:$0x3] =	sbarrier.arrive $0xFFFF  }
0x162: {  	_ =	shalt  }

</sc_bundles>
